<compile_context>
chip_gen: v7x
topology: tpu7x:2x2x1
jax: 0.10.2.dev20260603
libtpu: 0.0.44.dev20260713+nightly
codegen_flags: <defaults>
</compile_context>

<pallas_src>
import functools

import jax
import jax.numpy as jnp
from jax import lax
from jax.experimental import pallas as pl
from jax.experimental.pallas import tpu as pltpu
from jax.experimental.pallas import tpu_sc as plsc

BATCH = 16384
SEQ = 50
SEQP = 56
DIM = 64

_info = plsc.get_sparse_core_info()
_NC, _NS = _info.num_cores, _info.num_subcores
NW = _NC * _NS
ROWS_PER_W = BATCH // NW
IDX_PER_W = ROWS_PER_W * SEQP
RB = 8
N_BLOCKS = ROWS_PER_W // RB
N_PAIRS = N_BLOCKS // 2

_mesh = plsc.VectorSubcoreMesh(core_axis_name="c", subcore_axis_name="s")


@functools.partial(
    pl.kernel,
    mesh=_mesh,
    out_type=jax.ShapeDtypeStruct((BATCH, SEQ, DIM), jnp.float32),
    scratch_types=[
        pltpu.VMEM((IDX_PER_W,), jnp.int32),
        pltpu.VMEM((RB, SEQ, DIM), jnp.float32),
        pltpu.VMEM((RB, SEQ, DIM), jnp.float32),
        pltpu.SemaphoreType.DMA,
        pltpu.SemaphoreType.DMA,
        pltpu.SemaphoreType.DMA,
    ],
    compiler_params=pltpu.CompilerParams(use_tc_tiling_on_sc=False),
)
def _sc_gather(idx_hbm, table_hbm, out_hbm, idx_all, rows0, rows1,
               gsem, ssem0, ssem1):
    wid = lax.axis_index("s") * _NC + lax.axis_index("c")
    base_b = wid * ROWS_PER_W

    pltpu.sync_copy(idx_hbm.at[pl.ds(wid * IDX_PER_W, IDX_PER_W)], idx_all)

    def fire_gathers(g, rows):
        for r in range(RB):
            pltpu.async_copy(
                table_hbm.at[idx_all.at[pl.ds((g * RB + r) * SEQP, SEQ)]],
                rows.at[r],
                gsem,
            )

    def wait_gathers(rows):
        pltpu.make_async_copy(out_hbm.at[pl.ds(0, RB)], rows, gsem).wait()

    def fire_store(g, rows, sem):
        pltpu.async_copy(rows, out_hbm.at[pl.ds(base_b + g * RB, RB)], sem)

    def wait_store(rows, sem):
        pltpu.make_async_copy(rows, out_hbm.at[pl.ds(base_b, RB)], sem).wait()

    fire_gathers(0, rows0)

    def body(p, carry):
        g0 = 2 * p
        wait_gathers(rows0)
        fire_store(g0, rows0, ssem0)

        @pl.when(p > 0)
        def _():
            wait_store(rows1, ssem1)

        fire_gathers(g0 + 1, rows1)
        wait_gathers(rows1)
        fire_store(g0 + 1, rows1, ssem1)

        @pl.when(p < N_PAIRS - 1)
        def _():
            wait_store(rows0, ssem0)
            fire_gathers(g0 + 2, rows0)

        return carry

    lax.fori_loop(0, N_PAIRS, body, 0)
    wait_store(rows0, ssem0)
    wait_store(rows1, ssem1)


def kernel(indices, weight):
    idxp = jnp.pad(indices.astype(jnp.int32), ((0, 0), (0, SEQP - SEQ)))
    return _sc_gather(idxp.reshape(-1), weight)

# --- scband reference (transcript-rebuilt; emitter-appended) ---
"""Pipeline reference for scband-offloadable-embedding-72155450573263 (READ-ONLY COPY).

The authoritative reference and input builder live on the scoring server;
editing this copy changes nothing except your own understanding.
"""

import jax, jax.numpy as jnp
import numpy as np

NUM_EMBEDDINGS = 1000000
EMBEDDING_DIM = 64

def setup_inputs(seed: int = 0) -> dict:
    key = jax.random.key(seed)
    k_idx, k_w = jax.random.split(key)
    indices = jax.random.randint(k_idx, (16384, 50), 0, NUM_EMBEDDINGS, dtype=jnp.int64 if jax.config.jax_enable_x64 else jnp.int32)
    weight = jax.random.normal(k_w, (NUM_EMBEDDINGS, EMBEDDING_DIM), dtype=jnp.float32) * 0.02
    return {"indices": indices, "weight": weight}

def reference(indices, weight):
    # OffloadableEmbedding with offload=False reduces to a plain embedding lookup:
    # self.embedding(indices) -> weight[indices]
    return jnp.take(weight, indices, axis=0)

if __name__ == "__main__":
    import jax
    _d = setup_inputs()
    print(jax.jit(kernel)(*tuple(_d.values())))

</pallas_src>

<mosaic_0001>
#map = affine_map<(d0, d1) -> (0)>
#map1 = affine_map<(d0, d1) -> (0, 0)>
#map2 = affine_map<(d0, d1) -> (0, 0, 0)>
module attributes {stable_mosaic.version = 14 : i64} {
  func.func @_sc_gather(%arg0: i32, %arg1: i32, %arg2: memref<917504xi32, #tpu.memory_space<hbm>>, %arg3: memref<1000000x64xf32, #tpu.memory_space<hbm>>, %arg4: memref<16384x50x64xf32, #tpu.memory_space<hbm>>, %arg5: memref<28672xi32, #tpu.memory_space<vmem>>, %arg6: memref<8x50x64xf32, #tpu.memory_space<vmem>>, %arg7: memref<8x50x64xf32, #tpu.memory_space<vmem>>, %arg8: memref<!tpu.dma_semaphore, #tpu.memory_space<semaphore_mem>>, %arg9: memref<!tpu.dma_semaphore, #tpu.memory_space<semaphore_mem>>, %arg10: memref<!tpu.dma_semaphore, #tpu.memory_space<semaphore_mem>>) attributes {dimension_semantics = [#tpu.dimension_semantics<core_parallel>, #tpu.dimension_semantics<subcore_parallel>], iteration_bounds = array<i64: 2, 16>, scalar_prefetch = 0 : i64, scratch_operands = 6 : i64, tpu.core_type = #tpu.core_type<sc_vector_subcore>, window_params = [{transform_indices = #map}, {transform_indices = #map1}, {transform_indices = #map2}]} {
    %mul3A = arith.constant 2 : i32
    %mul3A_0 = arith.muli %arg1, %mul3A : i32
    %add3A = arith.addi %mul3A_0, %arg0 : i32
    %mul3A_1 = arith.constant 512 : i32
    %mul3A_2 = arith.muli %add3A, %mul3A_1 : i32
    %mul3A_3 = arith.constant 28672 : i32
    %mul3A_4 = arith.muli %add3A, %mul3A_3 : i32
    "tpu.region"() ({
      %run_scoped3A = tpu.sem_alloc : memref<!tpu.dma_semaphore, #tpu.memory_space<semaphore_mem>>
      %dma_start3A_100 = tpu.memref_slice %arg2[%mul3A_4] : memref<917504xi32, #tpu.memory_space<hbm>> -> memref<28672xi32, #tpu.memory_space<hbm>>
      %dma_start3A_101 = tpu.memref_slice %arg2[%mul3A_4] : memref<917504xi32, #tpu.memory_space<hbm>> -> memref<28672xi32, #tpu.memory_space<hbm>>
      tpu.enqueue_dma source(%dma_start3A_101 : memref<28672xi32, #tpu.memory_space<hbm>>) target(%arg5 : memref<28672xi32, #tpu.memory_space<vmem>>) target_semaphore(%run_scoped3A : memref<!tpu.dma_semaphore, #tpu.memory_space<semaphore_mem>>)
      %dma_wait3A_102 = tpu.memref_slice %arg2[%mul3A_4] : memref<917504xi32, #tpu.memory_space<hbm>> -> memref<28672xi32, #tpu.memory_space<hbm>>
      %dma_wait3A_103 = tpu.memref_slice %arg2[%mul3A_4] : memref<917504xi32, #tpu.memory_space<hbm>> -> memref<28672xi32, #tpu.memory_space<hbm>>
      tpu.wait_dma2 semaphore(%run_scoped3A : memref<!tpu.dma_semaphore, #tpu.memory_space<semaphore_mem>>) src(%dma_wait3A_103 : memref<28672xi32, #tpu.memory_space<hbm>>) dst(%arg5 : memref<28672xi32, #tpu.memory_space<vmem>>)
      tpu.yield
    }) : () -> ()
    %dma_start3A = arith.constant 0 : i32
    %dma_start3A_5 = arith.constant 0 : i32
    %dma_start3A_6 = arith.constant 0 : i32
    %dma_start3A_7 = tpu.memref_slice %arg6[%dma_start3A, %dma_start3A_5, %dma_start3A_6] : memref<8x50x64xf32, #tpu.memory_space<vmem>> -> memref<1x50x64xf32, #tpu.memory_space<vmem>>
    %dma_start3A_8 = tpu.memref_squeeze %dma_start3A_7 : memref<1x50x64xf32, #tpu.memory_space<vmem>> -> memref<50x64xf32, #tpu.memory_space<vmem>>
    %dma_start3A_9 = arith.constant 0 : i32
    %dma_start3A_10 = tpu.memref_slice %arg5[%dma_start3A_9] : memref<28672xi32, #tpu.memory_space<vmem>> -> memref<50xi32, #tpu.memory_space<vmem>>
    %dma_start3A_11 = arith.constant 0 : i32
    %dma_start3A_12 = arith.constant 0 : i32
    %dma_start3A_13 = tpu.memref_slice %arg3[%dma_start3A_11, %dma_start3A_12] : memref<1000000x64xf32, #tpu.memory_space<hbm>> -> memref<1000000x64xf32, #tpu.memory_space<hbm>>
    tpu.enqueue_indirect_dma source(%dma_start3A_13 : memref<1000000x64xf32, #tpu.memory_space<hbm>>) target(%dma_start3A_8 : memref<50x64xf32, #tpu.memory_space<vmem>>) offsets(%dma_start3A_10 : memref<50xi32, #tpu.memory_space<vmem>>) semaphore(%arg8 : memref<!tpu.dma_semaphore, #tpu.memory_space<semaphore_mem>>)
    %dma_start3A_14 = arith.constant 1 : i32
    %dma_start3A_15 = arith.constant 0 : i32
    %dma_start3A_16 = arith.constant 0 : i32
    %dma_start3A_17 = tpu.memref_slice %arg6[%dma_start3A_14, %dma_start3A_15, %dma_start3A_16] : memref<8x50x64xf32, #tpu.memory_space<vmem>> -> memref<1x50x64xf32, #tpu.memory_space<vmem>>
    %dma_start3A_18 = tpu.memref_squeeze %dma_start3A_17 : memref<1x50x64xf32, #tpu.memory_space<vmem>> -> memref<50x64xf32, #tpu.memory_space<vmem>>
    %dma_start3A_19 = arith.constant 56 : i32
    %dma_start3A_20 = tpu.memref_slice %arg5[%dma_start3A_19] : memref<28672xi32, #tpu.memory_space<vmem>> -> memref<50xi32, #tpu.memory_space<vmem>>
    %dma_start3A_21 = arith.constant 0 : i32
    %dma_start3A_22 = arith.constant 0 : i32
    %dma_start3A_23 = tpu.memref_slice %arg3[%dma_start3A_21, %dma_start3A_22] : memref<1000000x64xf32, #tpu.memory_space<hbm>> -> memref<1000000x64xf32, #tpu.memory_space<hbm>>
    tpu.enqueue_indirect_dma source(%dma_start3A_23 : memref<1000000x64xf32, #tpu.memory_space<hbm>>) target(%dma_start3A_18 : memref<50x64xf32, #tpu.memory_space<vmem>>) offsets(%dma_start3A_20 : memref<50xi32, #tpu.memory_space<vmem>>) semaphore(%arg8 : memref<!tpu.dma_semaphore, #tpu.memory_space<semaphore_mem>>)
    %dma_start3A_24 = arith.constant 2 : i32
    %dma_start3A_25 = arith.constant 0 : i32
    %dma_start3A_26 = arith.constant 0 : i32
    %dma_start3A_27 = tpu.memref_slice %arg6[%dma_start3A_24, %dma_start3A_25, %dma_start3A_26] : memref<8x50x64xf32, #tpu.memory_space<vmem>> -> memref<1x50x64xf32, #tpu.memory_space<vmem>>
    %dma_start3A_28 = tpu.memref_squeeze %dma_start3A_27 : memref<1x50x64xf32, #tpu.memory_space<vmem>> -> memref<50x64xf32, #tpu.memory_space<vmem>>
    %dma_start3A_29 = arith.constant 112 : i32
    %dma_start3A_30 = tpu.memref_slice %arg5[%dma_start3A_29] : memref<28672xi32, #tpu.memory_space<vmem>> -> memref<50xi32, #tpu.memory_space<vmem>>
    %dma_start3A_31 = arith.constant 0 : i32
    %dma_start3A_32 = arith.constant 0 : i32
    %dma_start3A_33 = tpu.memref_slice %arg3[%dma_start3A_31, %dma_start3A_32] : memref<1000000x64xf32, #tpu.memory_space<hbm>> -> memref<1000000x64xf32, #tpu.memory_space<hbm>>
    tpu.enqueue_indirect_dma source(%dma_start3A_33 : memref<1000000x64xf32, #tpu.memory_space<hbm>>) target(%dma_start3A_28 : memref<50x64xf32, #tpu.memory_space<vmem>>) offsets(%dma_start3A_30 : memref<50xi32, #tpu.memory_space<vmem>>) semaphore(%arg8 : memref<!tpu.dma_semaphore, #tpu.memory_space<semaphore_mem>>)
    %dma_start3A_34 = arith.constant 3 : i32
    %dma_start3A_35 = arith.constant 0 : i32
    %dma_start3A_36 = arith.constant 0 : i32
    %dma_start3A_37 = tpu.memref_slice %arg6[%dma_start3A_34, %dma_start3A_35, %dma_start3A_36] : memref<8x50x64xf32, #tpu.memory_space<vmem>> -> memref<1x50x64xf32, #tpu.memory_space<vmem>>
    %dma_start3A_38 = tpu.memref_squeeze %dma_start3A_37 : memref<1x50x64xf32, #tpu.memory_space<vmem>> -> memref<50x64xf32, #tpu.memory_space<vmem>>
    %dma_start3A_39 = arith.constant 168 : i32
    %dma_start3A_40 = tpu.memref_slice %arg5[%dma_start3A_39] : memref<28672xi32, #tpu.memory_space<vmem>> -> memref<50xi32, #tpu.memory_space<vmem>>
    %dma_start3A_41 = arith.constant 0 : i32
    %dma_start3A_42 = arith.constant 0 : i32
    %dma_start3A_43 = tpu.memref_slice %arg3[%dma_start3A_41, %dma_start3A_42] : memref<1000000x64xf32, #tpu.memory_space<hbm>> -> memref<1000000x64xf32, #tpu.memory_space<hbm>>
    tpu.enqueue_indirect_dma source(%dma_start3A_43 : memref<1000000x64xf32, #tpu.memory_space<hbm>>) target(%dma_start3A_38 : memref<50x64xf32, #tpu.memory_space<vmem>>) offsets(%dma_start3A_40 : memref<50xi32, #tpu.memory_space<vmem>>) semaphore(%arg8 : memref<!tpu.dma_semaphore, #tpu.memory_space<semaphore_mem>>)
    %dma_start3A_44 = arith.constant 4 : i32
    %dma_start3A_45 = arith.constant 0 : i32
    %dma_start3A_46 = arith.constant 0 : i32
    %dma_start3A_47 = tpu.memref_slice %arg6[%dma_start3A_44, %dma_start3A_45, %dma_start3A_46] : memref<8x50x64xf32, #tpu.memory_space<vmem>> -> memref<1x50x64xf32, #tpu.memory_space<vmem>>
    %dma_start3A_48 = tpu.memref_squeeze %dma_start3A_47 : memref<1x50x64xf32, #tpu.memory_space<vmem>> -> memref<50x64xf32, #tpu.memory_space<vmem>>
    %dma_start3A_49 = arith.constant 224 : i32
    %dma_start3A_50 = tpu.memref_slice %arg5[%dma_start3A_49] : memref<28672xi32, #tpu.memory_space<vmem>> -> memref<50xi32, #tpu.memory_space<vmem>>
    %dma_start3A_51 = arith.constant 0 : i32
    %dma_start3A_52 = arith.constant 0 : i32
    %dma_start3A_53 = tpu.memref_slice %arg3[%dma_start3A_51, %dma_start3A_52] : memref<1000000x64xf32, #tpu.memory_space<hbm>> -> memref<1000000x64xf32, #tpu.memory_space<hbm>>
    tpu.enqueue_indirect_dma source(%dma_start3A_53 : memref<1000000x64xf32, #tpu.memory_space<hbm>>) target(%dma_start3A_48 : memref<50x64xf32, #tpu.memory_space<vmem>>) offsets(%dma_start3A_50 : memref<50xi32, #tpu.memory_space<vmem>>) semaphore(%arg8 : memref<!tpu.dma_semaphore, #tpu.memory_space<semaphore_mem>>)
    %dma_start3A_54 = arith.constant 5 : i32
    %dma_start3A_55 = arith.constant 0 : i32
    %dma_start3A_56 = arith.constant 0 : i32
    %dma_start3A_57 = tpu.memref_slice %arg6[%dma_start3A_54, %dma_start3A_55, %dma_start3A_56] : memref<8x50x64xf32, #tpu.memory_space<vmem>> -> memref<1x50x64xf32, #tpu.memory_space<vmem>>
    %dma_start3A_58 = tpu.memref_squeeze %dma_start3A_57 : memref<1x50x64xf32, #tpu.memory_space<vmem>> -> memref<50x64xf32, #tpu.memory_space<vmem>>
    %dma_start3A_59 = arith.constant 280 : i32
    %dma_start3A_60 = tpu.memref_slice %arg5[%dma_start3A_59] : memref<28672xi32, #tpu.memory_space<vmem>> -> memref<50xi32, #tpu.memory_space<vmem>>
    %dma_start3A_61 = arith.constant 0 : i32
    %dma_start3A_62 = arith.constant 0 : i32
    %dma_start3A_63 = tpu.memref_slice %arg3[%dma_start3A_61, %dma_start3A_62] : memref<1000000x64xf32, #tpu.memory_space<hbm>> -> memref<1000000x64xf32, #tpu.memory_space<hbm>>
    tpu.enqueue_indirect_dma source(%dma_start3A_63 : memref<1000000x64xf32, #tpu.memory_space<hbm>>) target(%dma_start3A_58 : memref<50x64xf32, #tpu.memory_space<vmem>>) offsets(%dma_start3A_60 : memref<50xi32, #tpu.memory_space<vmem>>) semaphore(%arg8 : memref<!tpu.dma_semaphore, #tpu.memory_space<semaphore_mem>>)
    %dma_start3A_64 = arith.constant 6 : i32
    %dma_start3A_65 = arith.constant 0 : i32
    %dma_start3A_66 = arith.constant 0 : i32
    %dma_start3A_67 = tpu.memref_slice %arg6[%dma_start3A_64, %dma_start3A_65, %dma_start3A_66] : memref<8x50x64xf32, #tpu.memory_space<vmem>> -> memref<1x50x64xf32, #tpu.memory_space<vmem>>
    %dma_start3A_68 = tpu.memref_squeeze %dma_start3A_67 : memref<1x50x64xf32, #tpu.memory_space<vmem>> -> memref<50x64xf32, #tpu.memory_space<vmem>>
    %dma_start3A_69 = arith.constant 336 : i32
    %dma_start3A_70 = tpu.memref_slice %arg5[%dma_start3A_69] : memref<28672xi32, #tpu.memory_space<vmem>> -> memref<50xi32, #tpu.memory_space<vmem>>
    %dma_start3A_71 = arith.constant 0 : i32
    %dma_start3A_72 = arith.constant 0 : i32
    %dma_start3A_73 = tpu.memref_slice %arg3[%dma_start3A_71, %dma_start3A_72] : memref<1000000x64xf32, #tpu.memory_space<hbm>> -> memref<1000000x64xf32, #tpu.memory_space<hbm>>
    tpu.enqueue_indirect_dma source(%dma_start3A_73 : memref<1000000x64xf32, #tpu.memory_space<hbm>>) target(%dma_start3A_68 : memref<50x64xf32, #tpu.memory_space<vmem>>) offsets(%dma_start3A_70 : memref<50xi32, #tpu.memory_space<vmem>>) semaphore(%arg8 : memref<!tpu.dma_semaphore, #tpu.memory_space<semaphore_mem>>)
    %dma_start3A_74 = arith.constant 7 : i32
    %dma_start3A_75 = arith.constant 0 : i32
    %dma_start3A_76 = arith.constant 0 : i32
    %dma_start3A_77 = tpu.memref_slice %arg6[%dma_start3A_74, %dma_start3A_75, %dma_start3A_76] : memref<8x50x64xf32, #tpu.memory_space<vmem>> -> memref<1x50x64xf32, #tpu.memory_space<vmem>>
    %dma_start3A_78 = tpu.memref_squeeze %dma_start3A_77 : memref<1x50x64xf32, #tpu.memory_space<vmem>> -> memref<50x64xf32, #tpu.memory_space<vmem>>
    %dma_start3A_79 = arith.constant 392 : i32
    %dma_start3A_80 = tpu.memref_slice %arg5[%dma_start3A_79] : memref<28672xi32, #tpu.memory_space<vmem>> -> memref<50xi32, #tpu.memory_space<vmem>>
    %dma_start3A_81 = arith.constant 0 : i32
    %dma_start3A_82 = arith.constant 0 : i32
    %dma_start3A_83 = tpu.memref_slice %arg3[%dma_start3A_81, %dma_start3A_82] : memref<1000000x64xf32, #tpu.memory_space<hbm>> -> memref<1000000x64xf32, #tpu.memory_space<hbm>>
    tpu.enqueue_indirect_dma source(%dma_start3A_83 : memref<1000000x64xf32, #tpu.memory_space<hbm>>) target(%dma_start3A_78 : memref<50x64xf32, #tpu.memory_space<vmem>>) offsets(%dma_start3A_80 : memref<50xi32, #tpu.memory_space<vmem>>) semaphore(%arg8 : memref<!tpu.dma_semaphore, #tpu.memory_space<semaphore_mem>>)
    %scan3A = arith.constant 0 : i32
    %scan3A_84 = arith.constant 0 : i32
    %scan3A_85 = arith.constant 32 : i32
    %scan3A_86 = arith.addi %scan3A_84, %scan3A_85 : i32
    %scan3A_87 = arith.constant 1 : i32
    scf.for %scan3A_100 = %scan3A_84 to %scan3A_86 step %scan3A_87  : i32 {
      %mul3A_101 = arith.constant 2 : i32
      %mul3A_102 = arith.muli %mul3A_101, %scan3A_100 : i32
      %dma_wait3A_103 = arith.constant 0 : i32
      %dma_wait3A_104 = arith.constant 0 : i32
      %dma_wait3A_105 = arith.constant 0 : i32
      %dma_wait3A_106 = tpu.memref_slice %arg4[%dma_wait3A_103, %dma_wait3A_104, %dma_wait3A_105] : memref<16384x50x64xf32, #tpu.memory_space<hbm>> -> memref<8x50x64xf32, #tpu.memory_space<hbm>>
      %dma_wait3A_107 = arith.constant 0 : i32
      %dma_wait3A_108 = arith.constant 0 : i32
      %dma_wait3A_109 = arith.constant 0 : i32
      %dma_wait3A_110 = tpu.memref_slice %arg4[%dma_wait3A_107, %dma_wait3A_108, %dma_wait3A_109] : memref<16384x50x64xf32, #tpu.memory_space<hbm>> -> memref<8x50x64xf32, #tpu.memory_space<hbm>>
      tpu.wait_dma2 semaphore(%arg8 : memref<!tpu.dma_semaphore, #tpu.memory_space<semaphore_mem>>) src(%dma_wait3A_110 : memref<8x50x64xf32, #tpu.memory_space<hbm>>) dst(%arg6 : memref<8x50x64xf32, #tpu.memory_space<vmem>>)
      %mul3A_111 = arith.constant 8 : i32
      %mul3A_112 = arith.muli %mul3A_102, %mul3A_111 : i32
      %add3A_113 = arith.addi %mul3A_2, %mul3A_112 : i32
      %dma_start3A_114 = arith.constant 0 : i32
      %dma_start3A_115 = arith.constant 0 : i32
      %dma_start3A_116 = tpu.memref_slice %arg4[%add3A_113, %dma_start3A_114, %dma_start3A_115] : memref<16384x50x64xf32, #tpu.memory_space<hbm>> -> memref<8x50x64xf32, #tpu.memory_space<hbm>>
      %dma_start3A_117 = arith.constant 0 : i32
      %dma_start3A_118 = arith.constant 0 : i32
      %dma_start3A_119 = tpu.memref_slice %arg4[%add3A_113, %dma_start3A_117, %dma_start3A_118] : memref<16384x50x64xf32, #tpu.memory_space<hbm>> -> memref<8x50x64xf32, #tpu.memory_space<hbm>>
      tpu.enqueue_dma source(%arg6 : memref<8x50x64xf32, #tpu.memory_space<vmem>>) target(%dma_start3A_119 : memref<8x50x64xf32, #tpu.memory_space<hbm>>) target_semaphore(%arg9 : memref<!tpu.dma_semaphore, #tpu.memory_space<semaphore_mem>>)
      %gt3A = arith.constant 0 : i32
      %gt3A_120 = arith.cmpi sgt, %scan3A_100, %gt3A : i32
      %convert_element_type3A = arith.extui %gt3A_120 : i1 to i32
      %cond3A = arith.constant 0 : i32
      %cond3A_121 = arith.cmpi ne, %convert_element_type3A, %cond3A : i32
      scf.if %cond3A_121 {
        %dma_wait3A_267 = arith.constant 0 : i32
        %dma_wait3A_268 = arith.constant 0 : i32
        %dma_wait3A_269 = tpu.memref_slice %arg4[%mul3A_2, %dma_wait3A_267, %dma_wait3A_268] : memref<16384x50x64xf32, #tpu.memory_space<hbm>> -> memref<8x50x64xf32, #tpu.memory_space<hbm>>
        %dma_wait3A_270 = arith.constant 0 : i32
        %dma_wait3A_271 = arith.constant 0 : i32
        %dma_wait3A_272 = tpu.memref_slice %arg4[%mul3A_2, %dma_wait3A_270, %dma_wait3A_271] : memref<16384x50x64xf32, #tpu.memory_space<hbm>> -> memref<8x50x64xf32, #tpu.memory_space<hbm>>
        tpu.wait_dma2 semaphore(%arg10 : memref<!tpu.dma_semaphore, #tpu.memory_space<semaphore_mem>>) src(%arg7 : memref<8x50x64xf32, #tpu.memory_space<vmem>>) dst(%dma_wait3A_272 : memref<8x50x64xf32, #tpu.memory_space<hbm>>)
      } else {
      }
      %add3A_122 = arith.constant 1 : i32
      %add3A_123 = arith.addi %mul3A_102, %add3A_122 : i32
      %mul3A_124 = arith.constant 8 : i32
      %mul3A_125 = arith.muli %add3A_123, %mul3A_124 : i32
      %add3A_126 = arith.constant 0 : i32
      %add3A_127 = arith.addi %mul3A_125, %add3A_126 : i32
      %mul3A_128 = arith.constant 56 : i32
      %mul3A_129 = arith.muli %add3A_127, %mul3A_128 : i32
      %dma_start3A_130 = arith.constant 0 : i32
      %dma_start3A_131 = arith.constant 0 : i32
      %dma_start3A_132 = arith.constant 0 : i32
      %dma_start3A_133 = tpu.memref_slice %arg7[%dma_start3A_130, %dma_start3A_131, %dma_start3A_132] : memref<8x50x64xf32, #tpu.memory_space<vmem>> -> memref<1x50x64xf32, #tpu.memory_space<vmem>>
      %dma_start3A_134 = tpu.memref_squeeze %dma_start3A_133 : memref<1x50x64xf32, #tpu.memory_space<vmem>> -> memref<50x64xf32, #tpu.memory_space<vmem>>
      %dma_start3A_135 = tpu.memref_slice %arg5[%mul3A_129] : memref<28672xi32, #tpu.memory_space<vmem>> -> memref<50xi32, #tpu.memory_space<vmem>>
      %dma_start3A_136 = arith.constant 0 : i32
      %dma_start3A_137 = arith.constant 0 : i32
      %dma_start3A_138 = tpu.memref_slice %arg3[%dma_start3A_136, %dma_start3A_137] : memref<1000000x64xf32, #tpu.memory_space<hbm>> -> memref<1000000x64xf32, #tpu.memory_space<hbm>>
      tpu.enqueue_indirect_dma source(%dma_start3A_138 : memref<1000000x64xf32, #tpu.memory_space<hbm>>) target(%dma_start3A_134 : memref<50x64xf32, #tpu.memory_space<vmem>>) offsets(%dma_start3A_135 : memref<50xi32, #tpu.memory_space<vmem>>) semaphore(%arg8 : memref<!tpu.dma_semaphore, #tpu.memory_space<semaphore_mem>>)
      %mul3A_139 = arith.constant 8 : i32
      %mul3A_140 = arith.muli %add3A_123, %mul3A_139 : i32
      %add3A_141 = arith.constant 1 : i32
      %add3A_142 = arith.addi %mul3A_140, %add3A_141 : i32
      %mul3A_143 = arith.constant 56 : i32
      %mul3A_144 = arith.muli %add3A_142, %mul3A_143 : i32
      %dma_start3A_145 = arith.constant 1 : i32
      %dma_start3A_146 = arith.constant 0 : i32
      %dma_start3A_147 = arith.constant 0 : i32
      %dma_start3A_148 = tpu.memref_slice %arg7[%dma_start3A_145, %dma_start3A_146, %dma_start3A_147] : memref<8x50x64xf32, #tpu.memory_space<vmem>> -> memref<1x50x64xf32, #tpu.memory_space<vmem>>
      %dma_start3A_149 = tpu.memref_squeeze %dma_start3A_148 : memref<1x50x64xf32, #tpu.memory_space<vmem>> -> memref<50x64xf32, #tpu.memory_space<vmem>>
      %dma_start3A_150 = tpu.memref_slice %arg5[%mul3A_144] : memref<28672xi32, #tpu.memory_space<vmem>> -> memref<50xi32, #tpu.memory_space<vmem>>
      %dma_start3A_151 = arith.constant 0 : i32
      %dma_start3A_152 = arith.constant 0 : i32
      %dma_start3A_153 = tpu.memref_slice %arg3[%dma_start3A_151, %dma_start3A_152] : memref<1000000x64xf32, #tpu.memory_space<hbm>> -> memref<1000000x64xf32, #tpu.memory_space<hbm>>
      tpu.enqueue_indirect_dma source(%dma_start3A_153 : memref<1000000x64xf32, #tpu.memory_space<hbm>>) target(%dma_start3A_149 : memref<50x64xf32, #tpu.memory_space<vmem>>) offsets(%dma_start3A_150 : memref<50xi32, #tpu.memory_space<vmem>>) semaphore(%arg8 : memref<!tpu.dma_semaphore, #tpu.memory_space<semaphore_mem>>)
      %mul3A_154 = arith.constant 8 : i32
      %mul3A_155 = arith.muli %add3A_123, %mul3A_154 : i32
      %add3A_156 = arith.constant 2 : i32
      %add3A_157 = arith.addi %mul3A_155, %add3A_156 : i32
      %mul3A_158 = arith.constant 56 : i32
      %mul3A_159 = arith.muli %add3A_157, %mul3A_158 : i32
      %dma_start3A_160 = arith.constant 2 : i32
      %dma_start3A_161 = arith.constant 0 : i32
      %dma_start3A_162 = arith.constant 0 : i32
      %dma_start3A_163 = tpu.memref_slice %arg7[%dma_start3A_160, %dma_start3A_161, %dma_start3A_162] : memref<8x50x64xf32, #tpu.memory_space<vmem>> -> memref<1x50x64xf32, #tpu.memory_space<vmem>>
      %dma_start3A_164 = tpu.memref_squeeze %dma_start3A_163 : memref<1x50x64xf32, #tpu.memory_space<vmem>> -> memref<50x64xf32, #tpu.memory_space<vmem>>
      %dma_start3A_165 = tpu.memref_slice %arg5[%mul3A_159] : memref<28672xi32, #tpu.memory_space<vmem>> -> memref<50xi32, #tpu.memory_space<vmem>>
      %dma_start3A_166 = arith.constant 0 : i32
      %dma_start3A_167 = arith.constant 0 : i32
      %dma_start3A_168 = tpu.memref_slice %arg3[%dma_start3A_166, %dma_start3A_167] : memref<1000000x64xf32, #tpu.memory_space<hbm>> -> memref<1000000x64xf32, #tpu.memory_space<hbm>>
      tpu.enqueue_indirect_dma source(%dma_start3A_168 : memref<1000000x64xf32, #tpu.memory_space<hbm>>) target(%dma_start3A_164 : memref<50x64xf32, #tpu.memory_space<vmem>>) offsets(%dma_start3A_165 : memref<50xi32, #tpu.memory_space<vmem>>) semaphore(%arg8 : memref<!tpu.dma_semaphore, #tpu.memory_space<semaphore_mem>>)
      %mul3A_169 = arith.constant 8 : i32
      %mul3A_170 = arith.muli %add3A_123, %mul3A_169 : i32
      %add3A_171 = arith.constant 3 : i32
      %add3A_172 = arith.addi %mul3A_170, %add3A_171 : i32
      %mul3A_173 = arith.constant 56 : i32
      %mul3A_174 = arith.muli %add3A_172, %mul3A_173 : i32
      %dma_start3A_175 = arith.constant 3 : i32
      %dma_start3A_176 = arith.constant 0 : i32
      %dma_start3A_177 = arith.constant 0 : i32
      %dma_start3A_178 = tpu.memref_slice %arg7[%dma_start3A_175, %dma_start3A_176, %dma_start3A_177] : memref<8x50x64xf32, #tpu.memory_space<vmem>> -> memref<1x50x64xf32, #tpu.memory_space<vmem>>
      %dma_start3A_179 = tpu.memref_squeeze %dma_start3A_178 : memref<1x50x64xf32, #tpu.memory_space<vmem>> -> memref<50x64xf32, #tpu.memory_space<vmem>>
      %dma_start3A_180 = tpu.memref_slice %arg5[%mul3A_174] : memref<28672xi32, #tpu.memory_space<vmem>> -> memref<50xi32, #tpu.memory_space<vmem>>
      %dma_start3A_181 = arith.constant 0 : i32
      %dma_start3A_182 = arith.constant 0 : i32
      %dma_start3A_183 = tpu.memref_slice %arg3[%dma_start3A_181, %dma_start3A_182] : memref<1000000x64xf32, #tpu.memory_space<hbm>> -> memref<1000000x64xf32, #tpu.memory_space<hbm>>
      tpu.enqueue_indirect_dma source(%dma_start3A_183 : memref<1000000x64xf32, #tpu.memory_space<hbm>>) target(%dma_start3A_179 : memref<50x64xf32, #tpu.memory_space<vmem>>) offsets(%dma_start3A_180 : memref<50xi32, #tpu.memory_space<vmem>>) semaphore(%arg8 : memref<!tpu.dma_semaphore, #tpu.memory_space<semaphore_mem>>)
      %mul3A_184 = arith.constant 8 : i32
      %mul3A_185 = arith.muli %add3A_123, %mul3A_184 : i32
      %add3A_186 = arith.constant 4 : i32
      %add3A_187 = arith.addi %mul3A_185, %add3A_186 : i32
      %mul3A_188 = arith.constant 56 : i32
      %mul3A_189 = arith.muli %add3A_187, %mul3A_188 : i32
      %dma_start3A_190 = arith.constant 4 : i32
      %dma_start3A_191 = arith.constant 0 : i32
      %dma_start3A_192 = arith.constant 0 : i32
      %dma_start3A_193 = tpu.memref_slice %arg7[%dma_start3A_190, %dma_start3A_191, %dma_start3A_192] : memref<8x50x64xf32, #tpu.memory_space<vmem>> -> memref<1x50x64xf32, #tpu.memory_space<vmem>>
      %dma_start3A_194 = tpu.memref_squeeze %dma_start3A_193 : memref<1x50x64xf32, #tpu.memory_space<vmem>> -> memref<50x64xf32, #tpu.memory_space<vmem>>
      %dma_start3A_195 = tpu.memref_slice %arg5[%mul3A_189] : memref<28672xi32, #tpu.memory_space<vmem>> -> memref<50xi32, #tpu.memory_space<vmem>>
      %dma_start3A_196 = arith.constant 0 : i32
      %dma_start3A_197 = arith.constant 0 : i32
      %dma_start3A_198 = tpu.memref_slice %arg3[%dma_start3A_196, %dma_start3A_197] : memref<1000000x64xf32, #tpu.memory_space<hbm>> -> memref<1000000x64xf32, #tpu.memory_space<hbm>>
      tpu.enqueue_indirect_dma source(%dma_start3A_198 : memref<1000000x64xf32, #tpu.memory_space<hbm>>) target(%dma_start3A_194 : memref<50x64xf32, #tpu.memory_space<vmem>>) offsets(%dma_start3A_195 : memref<50xi32, #tpu.memory_space<vmem>>) semaphore(%arg8 : memref<!tpu.dma_semaphore, #tpu.memory_space<semaphore_mem>>)
      %mul3A_199 = arith.constant 8 : i32
      %mul3A_200 = arith.muli %add3A_123, %mul3A_199 : i32
      %add3A_201 = arith.constant 5 : i32
      %add3A_202 = arith.addi %mul3A_200, %add3A_201 : i32
      %mul3A_203 = arith.constant 56 : i32
      %mul3A_204 = arith.muli %add3A_202, %mul3A_203 : i32
      %dma_start3A_205 = arith.constant 5 : i32
      %dma_start3A_206 = arith.constant 0 : i32
      %dma_start3A_207 = arith.constant 0 : i32
      %dma_start3A_208 = tpu.memref_slice %arg7[%dma_start3A_205, %dma_start3A_206, %dma_start3A_207] : memref<8x50x64xf32, #tpu.memory_space<vmem>> -> memref<1x50x64xf32, #tpu.memory_space<vmem>>
      %dma_start3A_209 = tpu.memref_squeeze %dma_start3A_208 : memref<1x50x64xf32, #tpu.memory_space<vmem>> -> memref<50x64xf32, #tpu.memory_space<vmem>>
      %dma_start3A_210 = tpu.memref_slice %arg5[%mul3A_204] : memref<28672xi32, #tpu.memory_space<vmem>> -> memref<50xi32, #tpu.memory_space<vmem>>
      %dma_start3A_211 = arith.constant 0 : i32
      %dma_start3A_212 = arith.constant 0 : i32
      %dma_start3A_213 = tpu.memref_slice %arg3[%dma_start3A_211, %dma_start3A_212] : memref<1000000x64xf32, #tpu.memory_space<hbm>> -> memref<1000000x64xf32, #tpu.memory_space<hbm>>
      tpu.enqueue_indirect_dma source(%dma_start3A_213 : memref<1000000x64xf32, #tpu.memory_space<hbm>>) target(%dma_start3A_209 : memref<50x64xf32, #tpu.memory_space<vmem>>) offsets(%dma_start3A_210 : memref<50xi32, #tpu.memory_space<vmem>>) semaphore(%arg8 : memref<!tpu.dma_semaphore, #tpu.memory_space<semaphore_mem>>)
      %mul3A_214 = arith.constant 8 : i32
      %mul3A_215 = arith.muli %add3A_123, %mul3A_214 : i32
      %add3A_216 = arith.constant 6 : i32
      %add3A_217 = arith.addi %mul3A_215, %add3A_216 : i32
      %mul3A_218 = arith.constant 56 : i32
      %mul3A_219 = arith.muli %add3A_217, %mul3A_218 : i32
      %dma_start3A_220 = arith.constant 6 : i32
      %dma_start3A_221 = arith.constant 0 : i32
      %dma_start3A_222 = arith.constant 0 : i32
      %dma_start3A_223 = tpu.memref_slice %arg7[%dma_start3A_220, %dma_start3A_221, %dma_start3A_222] : memref<8x50x64xf32, #tpu.memory_space<vmem>> -> memref<1x50x64xf32, #tpu.memory_space<vmem>>
      %dma_start3A_224 = tpu.memref_squeeze %dma_start3A_223 : memref<1x50x64xf32, #tpu.memory_space<vmem>> -> memref<50x64xf32, #tpu.memory_space<vmem>>
      %dma_start3A_225 = tpu.memref_slice %arg5[%mul3A_219] : memref<28672xi32, #tpu.memory_space<vmem>> -> memref<50xi32, #tpu.memory_space<vmem>>
      %dma_start3A_226 = arith.constant 0 : i32
      %dma_start3A_227 = arith.constant 0 : i32
      %dma_start3A_228 = tpu.memref_slice %arg3[%dma_start3A_226, %dma_start3A_227] : memref<1000000x64xf32, #tpu.memory_space<hbm>> -> memref<1000000x64xf32, #tpu.memory_space<hbm>>
      tpu.enqueue_indirect_dma source(%dma_start3A_228 : memref<1000000x64xf32, #tpu.memory_space<hbm>>) target(%dma_start3A_224 : memref<50x64xf32, #tpu.memory_space<vmem>>) offsets(%dma_start3A_225 : memref<50xi32, #tpu.memory_space<vmem>>) semaphore(%arg8 : memref<!tpu.dma_semaphore, #tpu.memory_space<semaphore_mem>>)
      %mul3A_229 = arith.constant 8 : i32
      %mul3A_230 = arith.muli %add3A_123, %mul3A_229 : i32
      %add3A_231 = arith.constant 7 : i32
      %add3A_232 = arith.addi %mul3A_230, %add3A_231 : i32
      %mul3A_233 = arith.constant 56 : i32
      %mul3A_234 = arith.muli %add3A_232, %mul3A_233 : i32
      %dma_start3A_235 = arith.constant 7 : i32
      %dma_start3A_236 = arith.constant 0 : i32
      %dma_start3A_237 = arith.constant 0 : i32
      %dma_start3A_238 = tpu.memref_slice %arg7[%dma_start3A_235, %dma_start3A_236, %dma_start3A_237] : memref<8x50x64xf32, #tpu.memory_space<vmem>> -> memref<1x50x64xf32, #tpu.memory_space<vmem>>
      %dma_start3A_239 = tpu.memref_squeeze %dma_start3A_238 : memref<1x50x64xf32, #tpu.memory_space<vmem>> -> memref<50x64xf32, #tpu.memory_space<vmem>>
      %dma_start3A_240 = tpu.memref_slice %arg5[%mul3A_234] : memref<28672xi32, #tpu.memory_space<vmem>> -> memref<50xi32, #tpu.memory_space<vmem>>
      %dma_start3A_241 = arith.constant 0 : i32
      %dma_start3A_242 = arith.constant 0 : i32
      %dma_start3A_243 = tpu.memref_slice %arg3[%dma_start3A_241, %dma_start3A_242] : memref<1000000x64xf32, #tpu.memory_space<hbm>> -> memref<1000000x64xf32, #tpu.memory_space<hbm>>
      tpu.enqueue_indirect_dma source(%dma_start3A_243 : memref<1000000x64xf32, #tpu.memory_space<hbm>>) target(%dma_start3A_239 : memref<50x64xf32, #tpu.memory_space<vmem>>) offsets(%dma_start3A_240 : memref<50xi32, #tpu.memory_space<vmem>>) semaphore(%arg8 : memref<!tpu.dma_semaphore, #tpu.memory_space<semaphore_mem>>)
      %dma_wait3A_244 = arith.constant 0 : i32
      %dma_wait3A_245 = arith.constant 0 : i32
      %dma_wait3A_246 = arith.constant 0 : i32
      %dma_wait3A_247 = tpu.memref_slice %arg4[%dma_wait3A_244, %dma_wait3A_245, %dma_wait3A_246] : memref<16384x50x64xf32, #tpu.memory_space<hbm>> -> memref<8x50x64xf32, #tpu.memory_space<hbm>>
      %dma_wait3A_248 = arith.constant 0 : i32
      %dma_wait3A_249 = arith.constant 0 : i32
      %dma_wait3A_250 = arith.constant 0 : i32
      %dma_wait3A_251 = tpu.memref_slice %arg4[%dma_wait3A_248, %dma_wait3A_249, %dma_wait3A_250] : memref<16384x50x64xf32, #tpu.memory_space<hbm>> -> memref<8x50x64xf32, #tpu.memory_space<hbm>>
      tpu.wait_dma2 semaphore(%arg8 : memref<!tpu.dma_semaphore, #tpu.memory_space<semaphore_mem>>) src(%dma_wait3A_251 : memref<8x50x64xf32, #tpu.memory_space<hbm>>) dst(%arg7 : memref<8x50x64xf32, #tpu.memory_space<vmem>>)
      %add3A_252 = arith.constant 1 : i32
      %add3A_253 = arith.addi %mul3A_102, %add3A_252 : i32
      %mul3A_254 = arith.constant 8 : i32
      %mul3A_255 = arith.muli %add3A_253, %mul3A_254 : i32
      %add3A_256 = arith.addi %mul3A_2, %mul3A_255 : i32
      %dma_start3A_257 = arith.constant 0 : i32
      %dma_start3A_258 = arith.constant 0 : i32
      %dma_start3A_259 = tpu.memref_slice %arg4[%add3A_256, %dma_start3A_257, %dma_start3A_258] : memref<16384x50x64xf32, #tpu.memory_space<hbm>> -> memref<8x50x64xf32, #tpu.memory_space<hbm>>
      %dma_start3A_260 = arith.constant 0 : i32
      %dma_start3A_261 = arith.constant 0 : i32
      %dma_start3A_262 = tpu.memref_slice %arg4[%add3A_256, %dma_start3A_260, %dma_start3A_261] : memref<16384x50x64xf32, #tpu.memory_space<hbm>> -> memref<8x50x64xf32, #tpu.memory_space<hbm>>
      tpu.enqueue_dma source(%arg7 : memref<8x50x64xf32, #tpu.memory_space<vmem>>) target(%dma_start3A_262 : memref<8x50x64xf32, #tpu.memory_space<hbm>>) target_semaphore(%arg10 : memref<!tpu.dma_semaphore, #tpu.memory_space<semaphore_mem>>)
      %lt3A = arith.constant 31 : i32
      %lt3A_263 = arith.cmpi slt, %scan3A_100, %lt3A : i32
      %convert_element_type3A_264 = arith.extui %lt3A_263 : i1 to i32
      %cond3A_265 = arith.constant 0 : i32
      %cond3A_266 = arith.cmpi ne, %convert_element_type3A_264, %cond3A_265 : i32
      scf.if %cond3A_266 {
        %dma_wait3A_267 = arith.constant 0 : i32
        %dma_wait3A_268 = arith.constant 0 : i32
        %dma_wait3A_269 = tpu.memref_slice %arg4[%mul3A_2, %dma_wait3A_267, %dma_wait3A_268] : memref<16384x50x64xf32, #tpu.memory_space<hbm>> -> memref<8x50x64xf32, #tpu.memory_space<hbm>>
        %dma_wait3A_270 = arith.constant 0 : i32
        %dma_wait3A_271 = arith.constant 0 : i32
        %dma_wait3A_272 = tpu.memref_slice %arg4[%mul3A_2, %dma_wait3A_270, %dma_wait3A_271] : memref<16384x50x64xf32, #tpu.memory_space<hbm>> -> memref<8x50x64xf32, #tpu.memory_space<hbm>>
        tpu.wait_dma2 semaphore(%arg9 : memref<!tpu.dma_semaphore, #tpu.memory_space<semaphore_mem>>) src(%arg6 : memref<8x50x64xf32, #tpu.memory_space<vmem>>) dst(%dma_wait3A_272 : memref<8x50x64xf32, #tpu.memory_space<hbm>>)
        %add3A_273 = arith.constant 2 : i32
        %add3A_274 = arith.addi %mul3A_102, %add3A_273 : i32
        %mul3A_275 = arith.constant 8 : i32
        %mul3A_276 = arith.muli %add3A_274, %mul3A_275 : i32
        %add3A_277 = arith.constant 0 : i32
        %add3A_278 = arith.addi %mul3A_276, %add3A_277 : i32
        %mul3A_279 = arith.constant 56 : i32
        %mul3A_280 = arith.muli %add3A_278, %mul3A_279 : i32
        %dma_start3A_281 = arith.constant 0 : i32
        %dma_start3A_282 = arith.constant 0 : i32
        %dma_start3A_283 = arith.constant 0 : i32
        %dma_start3A_284 = tpu.memref_slice %arg6[%dma_start3A_281, %dma_start3A_282, %dma_start3A_283] : memref<8x50x64xf32, #tpu.memory_space<vmem>> -> memref<1x50x64xf32, #tpu.memory_space<vmem>>
        %dma_start3A_285 = tpu.memref_squeeze %dma_start3A_284 : memref<1x50x64xf32, #tpu.memory_space<vmem>> -> memref<50x64xf32, #tpu.memory_space<vmem>>
        %dma_start3A_286 = tpu.memref_slice %arg5[%mul3A_280] : memref<28672xi32, #tpu.memory_space<vmem>> -> memref<50xi32, #tpu.memory_space<vmem>>
        %dma_start3A_287 = arith.constant 0 : i32
        %dma_start3A_288 = arith.constant 0 : i32
        %dma_start3A_289 = tpu.memref_slice %arg3[%dma_start3A_287, %dma_start3A_288] : memref<1000000x64xf32, #tpu.memory_space<hbm>> -> memref<1000000x64xf32, #tpu.memory_space<hbm>>
        tpu.enqueue_indirect_dma source(%dma_start3A_289 : memref<1000000x64xf32, #tpu.memory_space<hbm>>) target(%dma_start3A_285 : memref<50x64xf32, #tpu.memory_space<vmem>>) offsets(%dma_start3A_286 : memref<50xi32, #tpu.memory_space<vmem>>) semaphore(%arg8 : memref<!tpu.dma_semaphore, #tpu.memory_space<semaphore_mem>>)
        %mul3A_290 = arith.constant 8 : i32
        %mul3A_291 = arith.muli %add3A_274, %mul3A_290 : i32
        %add3A_292 = arith.constant 1 : i32
        %add3A_293 = arith.addi %mul3A_291, %add3A_292 : i32
        %mul3A_294 = arith.constant 56 : i32
        %mul3A_295 = arith.muli %add3A_293, %mul3A_294 : i32
        %dma_start3A_296 = arith.constant 1 : i32
        %dma_start3A_297 = arith.constant 0 : i32
        %dma_start3A_298 = arith.constant 0 : i32
        %dma_start3A_299 = tpu.memref_slice %arg6[%dma_start3A_296, %dma_start3A_297, %dma_start3A_298] : memref<8x50x64xf32, #tpu.memory_space<vmem>> -> memref<1x50x64xf32, #tpu.memory_space<vmem>>
        %dma_start3A_300 = tpu.memref_squeeze %dma_start3A_299 : memref<1x50x64xf32, #tpu.memory_space<vmem>> -> memref<50x64xf32, #tpu.memory_space<vmem>>
        %dma_start3A_301 = tpu.memref_slice %arg5[%mul3A_295] : memref<28672xi32, #tpu.memory_space<vmem>> -> memref<50xi32, #tpu.memory_space<vmem>>
        %dma_start3A_302 = arith.constant 0 : i32
        %dma_start3A_303 = arith.constant 0 : i32
        %dma_start3A_304 = tpu.memref_slice %arg3[%dma_start3A_302, %dma_start3A_303] : memref<1000000x64xf32, #tpu.memory_space<hbm>> -> memref<1000000x64xf32, #tpu.memory_space<hbm>>
        tpu.enqueue_indirect_dma source(%dma_start3A_304 : memref<1000000x64xf32, #tpu.memory_space<hbm>>) target(%dma_start3A_300 : memref<50x64xf32, #tpu.memory_space<vmem>>) offsets(%dma_start3A_301 : memref<50xi32, #tpu.memory_space<vmem>>) semaphore(%arg8 : memref<!tpu.dma_semaphore, #tpu.memory_space<semaphore_mem>>)
        %mul3A_305 = arith.constant 8 : i32
        %mul3A_306 = arith.muli %add3A_274, %mul3A_305 : i32
        %add3A_307 = arith.constant 2 : i32
        %add3A_308 = arith.addi %mul3A_306, %add3A_307 : i32
        %mul3A_309 = arith.constant 56 : i32
        %mul3A_310 = arith.muli %add3A_308, %mul3A_309 : i32
        %dma_start3A_311 = arith.constant 2 : i32
        %dma_start3A_312 = arith.constant 0 : i32
        %dma_start3A_313 = arith.constant 0 : i32
        %dma_start3A_314 = tpu.memref_slice %arg6[%dma_start3A_311, %dma_start3A_312, %dma_start3A_313] : memref<8x50x64xf32, #tpu.memory_space<vmem>> -> memref<1x50x64xf32, #tpu.memory_space<vmem>>
        %dma_start3A_315 = tpu.memref_squeeze %dma_start3A_314 : memref<1x50x64xf32, #tpu.memory_space<vmem>> -> memref<50x64xf32, #tpu.memory_space<vmem>>
        %dma_start3A_316 = tpu.memref_slice %arg5[%mul3A_310] : memref<28672xi32, #tpu.memory_space<vmem>> -> memref<50xi32, #tpu.memory_space<vmem>>
        %dma_start3A_317 = arith.constant 0 : i32
        %dma_start3A_318 = arith.constant 0 : i32
        %dma_start3A_319 = tpu.memref_slice %arg3[%dma_start3A_317, %dma_start3A_318] : memref<1000000x64xf32, #tpu.memory_space<hbm>> -> memref<1000000x64xf32, #tpu.memory_space<hbm>>
        tpu.enqueue_indirect_dma source(%dma_start3A_319 : memref<1000000x64xf32, #tpu.memory_space<hbm>>) target(%dma_start3A_315 : memref<50x64xf32, #tpu.memory_space<vmem>>) offsets(%dma_start3A_316 : memref<50xi32, #tpu.memory_space<vmem>>) semaphore(%arg8 : memref<!tpu.dma_semaphore, #tpu.memory_space<semaphore_mem>>)
        %mul3A_320 = arith.constant 8 : i32
        %mul3A_321 = arith.muli %add3A_274, %mul3A_320 : i32
        %add3A_322 = arith.constant 3 : i32
        %add3A_323 = arith.addi %mul3A_321, %add3A_322 : i32
        %mul3A_324 = arith.constant 56 : i32
        %mul3A_325 = arith.muli %add3A_323, %mul3A_324 : i32
        %dma_start3A_326 = arith.constant 3 : i32
        %dma_start3A_327 = arith.constant 0 : i32
        %dma_start3A_328 = arith.constant 0 : i32
        %dma_start3A_329 = tpu.memref_slice %arg6[%dma_start3A_326, %dma_start3A_327, %dma_start3A_328] : memref<8x50x64xf32, #tpu.memory_space<vmem>> -> memref<1x50x64xf32, #tpu.memory_space<vmem>>
        %dma_start3A_330 = tpu.memref_squeeze %dma_start3A_329 : memref<1x50x64xf32, #tpu.memory_space<vmem>> -> memref<50x64xf32, #tpu.memory_space<vmem>>
        %dma_start3A_331 = tpu.memref_slice %arg5[%mul3A_325] : memref<28672xi32, #tpu.memory_space<vmem>> -> memref<50xi32, #tpu.memory_space<vmem>>
        %dma_start3A_332 = arith.constant 0 : i32
        %dma_start3A_333 = arith.constant 0 : i32
        %dma_start3A_334 = tpu.memref_slice %arg3[%dma_start3A_332, %dma_start3A_333] : memref<1000000x64xf32, #tpu.memory_space<hbm>> -> memref<1000000x64xf32, #tpu.memory_space<hbm>>
        tpu.enqueue_indirect_dma source(%dma_start3A_334 : memref<1000000x64xf32, #tpu.memory_space<hbm>>) target(%dma_start3A_330 : memref<50x64xf32, #tpu.memory_space<vmem>>) offsets(%dma_start3A_331 : memref<50xi32, #tpu.memory_space<vmem>>) semaphore(%arg8 : memref<!tpu.dma_semaphore, #tpu.memory_space<semaphore_mem>>)
        %mul3A_335 = arith.constant 8 : i32
        %mul3A_336 = arith.muli %add3A_274, %mul3A_335 : i32
        %add3A_337 = arith.constant 4 : i32
        %add3A_338 = arith.addi %mul3A_336, %add3A_337 : i32
        %mul3A_339 = arith.constant 56 : i32
        %mul3A_340 = arith.muli %add3A_338, %mul3A_339 : i32
        %dma_start3A_341 = arith.constant 4 : i32
        %dma_start3A_342 = arith.constant 0 : i32
        %dma_start3A_343 = arith.constant 0 : i32
        %dma_start3A_344 = tpu.memref_slice %arg6[%dma_start3A_341, %dma_start3A_342, %dma_start3A_343] : memref<8x50x64xf32, #tpu.memory_space<vmem>> -> memref<1x50x64xf32, #tpu.memory_space<vmem>>
        %dma_start3A_345 = tpu.memref_squeeze %dma_start3A_344 : memref<1x50x64xf32, #tpu.memory_space<vmem>> -> memref<50x64xf32, #tpu.memory_space<vmem>>
        %dma_start3A_346 = tpu.memref_slice %arg5[%mul3A_340] : memref<28672xi32, #tpu.memory_space<vmem>> -> memref<50xi32, #tpu.memory_space<vmem>>
        %dma_start3A_347 = arith.constant 0 : i32
        %dma_start3A_348 = arith.constant 0 : i32
        %dma_start3A_349 = tpu.memref_slice %arg3[%dma_start3A_347, %dma_start3A_348] : memref<1000000x64xf32, #tpu.memory_space<hbm>> -> memref<1000000x64xf32, #tpu.memory_space<hbm>>
        tpu.enqueue_indirect_dma source(%dma_start3A_349 : memref<1000000x64xf32, #tpu.memory_space<hbm>>) target(%dma_start3A_345 : memref<50x64xf32, #tpu.memory_space<vmem>>) offsets(%dma_start3A_346 : memref<50xi32, #tpu.memory_space<vmem>>) semaphore(%arg8 : memref<!tpu.dma_semaphore, #tpu.memory_space<semaphore_mem>>)
        %mul3A_350 = arith.constant 8 : i32
        %mul3A_351 = arith.muli %add3A_274, %mul3A_350 : i32
        %add3A_352 = arith.constant 5 : i32
        %add3A_353 = arith.addi %mul3A_351, %add3A_352 : i32
        %mul3A_354 = arith.constant 56 : i32
        %mul3A_355 = arith.muli %add3A_353, %mul3A_354 : i32
        %dma_start3A_356 = arith.constant 5 : i32
        %dma_start3A_357 = arith.constant 0 : i32
        %dma_start3A_358 = arith.constant 0 : i32
        %dma_start3A_359 = tpu.memref_slice %arg6[%dma_start3A_356, %dma_start3A_357, %dma_start3A_358] : memref<8x50x64xf32, #tpu.memory_space<vmem>> -> memref<1x50x64xf32, #tpu.memory_space<vmem>>
        %dma_start3A_360 = tpu.memref_squeeze %dma_start3A_359 : memref<1x50x64xf32, #tpu.memory_space<vmem>> -> memref<50x64xf32, #tpu.memory_space<vmem>>
        %dma_start3A_361 = tpu.memref_slice %arg5[%mul3A_355] : memref<28672xi32, #tpu.memory_space<vmem>> -> memref<50xi32, #tpu.memory_space<vmem>>
        %dma_start3A_362 = arith.constant 0 : i32
        %dma_start3A_363 = arith.constant 0 : i32
        %dma_start3A_364 = tpu.memref_slice %arg3[%dma_start3A_362, %dma_start3A_363] : memref<1000000x64xf32, #tpu.memory_space<hbm>> -> memref<1000000x64xf32, #tpu.memory_space<hbm>>
        tpu.enqueue_indirect_dma source(%dma_start3A_364 : memref<1000000x64xf32, #tpu.memory_space<hbm>>) target(%dma_start3A_360 : memref<50x64xf32, #tpu.memory_space<vmem>>) offsets(%dma_start3A_361 : memref<50xi32, #tpu.memory_space<vmem>>) semaphore(%arg8 : memref<!tpu.dma_semaphore, #tpu.memory_space<semaphore_mem>>)
        %mul3A_365 = arith.constant 8 : i32
        %mul3A_366 = arith.muli %add3A_274, %mul3A_365 : i32
        %add3A_367 = arith.constant 6 : i32
        %add3A_368 = arith.addi %mul3A_366, %add3A_367 : i32
        %mul3A_369 = arith.constant 56 : i32
        %mul3A_370 = arith.muli %add3A_368, %mul3A_369 : i32
        %dma_start3A_371 = arith.constant 6 : i32
        %dma_start3A_372 = arith.constant 0 : i32
        %dma_start3A_373 = arith.constant 0 : i32
        %dma_start3A_374 = tpu.memref_slice %arg6[%dma_start3A_371, %dma_start3A_372, %dma_start3A_373] : memref<8x50x64xf32, #tpu.memory_space<vmem>> -> memref<1x50x64xf32, #tpu.memory_space<vmem>>
        %dma_start3A_375 = tpu.memref_squeeze %dma_start3A_374 : memref<1x50x64xf32, #tpu.memory_space<vmem>> -> memref<50x64xf32, #tpu.memory_space<vmem>>
        %dma_start3A_376 = tpu.memref_slice %arg5[%mul3A_370] : memref<28672xi32, #tpu.memory_space<vmem>> -> memref<50xi32, #tpu.memory_space<vmem>>
        %dma_start3A_377 = arith.constant 0 : i32
        %dma_start3A_378 = arith.constant 0 : i32
        %dma_start3A_379 = tpu.memref_slice %arg3[%dma_start3A_377, %dma_start3A_378] : memref<1000000x64xf32, #tpu.memory_space<hbm>> -> memref<1000000x64xf32, #tpu.memory_space<hbm>>
        tpu.enqueue_indirect_dma source(%dma_start3A_379 : memref<1000000x64xf32, #tpu.memory_space<hbm>>) target(%dma_start3A_375 : memref<50x64xf32, #tpu.memory_space<vmem>>) offsets(%dma_start3A_376 : memref<50xi32, #tpu.memory_space<vmem>>) semaphore(%arg8 : memref<!tpu.dma_semaphore, #tpu.memory_space<semaphore_mem>>)
        %mul3A_380 = arith.constant 8 : i32
        %mul3A_381 = arith.muli %add3A_274, %mul3A_380 : i32
        %add3A_382 = arith.constant 7 : i32
        %add3A_383 = arith.addi %mul3A_381, %add3A_382 : i32
        %mul3A_384 = arith.constant 56 : i32
        %mul3A_385 = arith.muli %add3A_383, %mul3A_384 : i32
        %dma_start3A_386 = arith.constant 7 : i32
        %dma_start3A_387 = arith.constant 0 : i32
        %dma_start3A_388 = arith.constant 0 : i32
        %dma_start3A_389 = tpu.memref_slice %arg6[%dma_start3A_386, %dma_start3A_387, %dma_start3A_388] : memref<8x50x64xf32, #tpu.memory_space<vmem>> -> memref<1x50x64xf32, #tpu.memory_space<vmem>>
        %dma_start3A_390 = tpu.memref_squeeze %dma_start3A_389 : memref<1x50x64xf32, #tpu.memory_space<vmem>> -> memref<50x64xf32, #tpu.memory_space<vmem>>
        %dma_start3A_391 = tpu.memref_slice %arg5[%mul3A_385] : memref<28672xi32, #tpu.memory_space<vmem>> -> memref<50xi32, #tpu.memory_space<vmem>>
        %dma_start3A_392 = arith.constant 0 : i32
        %dma_start3A_393 = arith.constant 0 : i32
        %dma_start3A_394 = tpu.memref_slice %arg3[%dma_start3A_392, %dma_start3A_393] : memref<1000000x64xf32, #tpu.memory_space<hbm>> -> memref<1000000x64xf32, #tpu.memory_space<hbm>>
        tpu.enqueue_indirect_dma source(%dma_start3A_394 : memref<1000000x64xf32, #tpu.memory_space<hbm>>) target(%dma_start3A_390 : memref<50x64xf32, #tpu.memory_space<vmem>>) offsets(%dma_start3A_391 : memref<50xi32, #tpu.memory_space<vmem>>) semaphore(%arg8 : memref<!tpu.dma_semaphore, #tpu.memory_space<semaphore_mem>>)
      } else {
      }
    }
    %scan3A_88 = arith.constant 32 : i32
    %dma_wait3A = arith.constant 0 : i32
    %dma_wait3A_89 = arith.constant 0 : i32
    %dma_wait3A_90 = tpu.memref_slice %arg4[%mul3A_2, %dma_wait3A, %dma_wait3A_89] : memref<16384x50x64xf32, #tpu.memory_space<hbm>> -> memref<8x50x64xf32, #tpu.memory_space<hbm>>
    %dma_wait3A_91 = arith.constant 0 : i32
    %dma_wait3A_92 = arith.constant 0 : i32
    %dma_wait3A_93 = tpu.memref_slice %arg4[%mul3A_2, %dma_wait3A_91, %dma_wait3A_92] : memref<16384x50x64xf32, #tpu.memory_space<hbm>> -> memref<8x50x64xf32, #tpu.memory_space<hbm>>
    tpu.wait_dma2 semaphore(%arg9 : memref<!tpu.dma_semaphore, #tpu.memory_space<semaphore_mem>>) src(%arg6 : memref<8x50x64xf32, #tpu.memory_space<vmem>>) dst(%dma_wait3A_93 : memref<8x50x64xf32, #tpu.memory_space<hbm>>)
    %dma_wait3A_94 = arith.constant 0 : i32
    %dma_wait3A_95 = arith.constant 0 : i32
    %dma_wait3A_96 = tpu.memref_slice %arg4[%mul3A_2, %dma_wait3A_94, %dma_wait3A_95] : memref<16384x50x64xf32, #tpu.memory_space<hbm>> -> memref<8x50x64xf32, #tpu.memory_space<hbm>>
    %dma_wait3A_97 = arith.constant 0 : i32
    %dma_wait3A_98 = arith.constant 0 : i32
    %dma_wait3A_99 = tpu.memref_slice %arg4[%mul3A_2, %dma_wait3A_97, %dma_wait3A_98] : memref<16384x50x64xf32, #tpu.memory_space<hbm>> -> memref<8x50x64xf32, #tpu.memory_space<hbm>>
    tpu.wait_dma2 semaphore(%arg10 : memref<!tpu.dma_semaphore, #tpu.memory_space<semaphore_mem>>) src(%arg7 : memref<8x50x64xf32, #tpu.memory_space<vmem>>) dst(%dma_wait3A_99 : memref<8x50x64xf32, #tpu.memory_space<hbm>>)
    return
  }
}

</mosaic_0001>

<sc_bundles>
// kernel: kernel.3.cloned.1.call-start
scs
__scs_entry_jumppad:
0x0: {  	(pc) =	sbr.rel $0x88, $3  }
0x1: {  	(tag) =	ssettag $0x0;
	lr =	simm.s32 $0x1  }
0x2: {  	[smem:$0x3F9F] =	sst lr;
	_ =	strace $0xD0000000  }
0x3: {  	_ = 	snop  }
0x4: {  	_ = 	snop  }
0x5: {  	_ = 	snop  }
0x6: {  	_ = 	snop  }
0x7: {  	_ = 	snop  }
__scs_overlays_trampoline_lowered:
0x8: {  	[smem:$0x3FAE] =	sst s0  }
0x9: {  	[smem:$0x3FAF] =	sst s1  }
0xa: {  	[smem:$0x3FB0] =	sst s2  }
0xb: {  	[smem:$0x3FB1] =	sst s3  }
0xc: {  	[smem:$0x3FB2] =	sst s4  }
0xd: {  	[smem:$0x3FB3] =	sst s5  }
0xe: {  	[smem:$0x3FB4] =	sst s6  }
0xf: {  	[smem:$0x3FB5] =	sst s7  }
0x10: {  	[smem:$0x3FB6] =	sst s8  }
0x11: {  	[smem:$0x3FB7] =	sst s9;
	s0 =	simm.s32 @!p0 $0x0  }
0x12: {  	s1 =	sld [smem:$0x3F9D];
	s0 =	simm.s32 @p0 $0x1  }
0x13: {  	[smem:$0x3FB8] =	sst s0;
	s0 =	simm.s32 @!p1 $0x0  }
0x14: {  	s2 =	sld [smem:$0x3F9C];
	s0 =	simm.s32 @p1 $0x1  }
0x15: {  	[smem:$0x3FB9] =	sst s0;
	s0 =	simm.s32 @!p2 $0x0  }
0x16: {  	s3 =	sld [smem:$0x3FDB];
	s0 =	simm.s32 @p2 $0x1  }
0x17: {  	s4 =	simm.s32 $0x1BF5;
	[smem:$0x3FBB] =	sst s0  }
0x18: {  	s0 =	sld [smem:$0x3F9E];
	_ =	swait.ge [sflag:s4], $0x0  }
0x19: {  	s7 =	sld [smem:$0x3F9F]  }
0x1a: {  	s8 =	sadd.s32 $0xFFFFE003, lr  }
0x1b: {  	s9 =	sadd.s32 $0xFFFFFEF7, lr;
	s5 =	simm.s32 $0xFFFFFFFF;
	p2 =	slt.u32 s8, $0xFFFFF086  }
0x1c: {  	p1 =	slt.u32 s9, $0xF7A;
	s5 =	simm.s32 @!p2 $0x0  }
0x1d: {  	s5 =	simm.s32 @p1 $0x1;
	p0 =	seq.s32 s7, s2  }
0x1e: {  	s7 =	smul.u32 @!p0 $0xF7A, s2;
	p2 =	seq.s32 @!p0 s5, $0x0  }
0x1f: {  	s9 =	smul.u32 $0xF7A, s1;
	s8 =	simm.s32 @!p0 $0x1BF5;
	p2 =	por !p2, p0  }
0x20: {  	[sflag:s8] =	ssyncset.s32 @!p0 $0xFFFFF086;
	s6 =	sadd.s32 @!p0 s3, s7;
	s7 =	simm.s32 @!p0 $0x108  }
0x21: {  	s3 =	sadd.s32 s3, s9;
	s6 =	sadd.s32 @!p0 $0x88, s6;
	s7 =	simm.s32 @p2 $0x1082  }
0x22: {  	[simem:s7], [sflag:s8] =	dma.local @!p0 [hbm:s6], $0xF7A  }
0x23: {  	s9 =	sor.u32 $0xD0000000, s2;
	s6 =	simm.s32 $0x108;
	_ =	swait.ge @!p0 [sflag:s8], $0x0  }
0x24: {  	s3 =	sadd.s32 $0x88, s3;
	s6 =	simm.s32 @!p1 $0x1082;
	[sflag:s4] =	ssyncset.s32 $0xFFFFF086  }
0x25: {  	[simem:s6], [sflag:s4] =	dma.local [hbm:s3], $0xF7A  }
0x26: {  	[smem:$0x3F9F] =	sst s1;
	(tag) =	ssettag s2;
	_ =	strace s9  }
0x27: {  	s1 =	sld [smem:$0x3FAF]  }
0x28: {  	s2 =	sld [smem:$0x3FB0]  }
0x29: {  	s4 =	sld [smem:$0x3FB2]  }
0x2a: {  	p0 =	seq.s32 s5, $0x0;
	s5 =	sld [smem:$0x3FB3]  }
0x2b: {  	s6 =	sld [smem:$0x3FB4]  }
0x2c: {  	s7 =	sld [smem:$0x3FB5]  }
0x2d: {  	s3 =	simm.s32 $0x108;
	s8 =	sld [smem:$0x3FB6]  }
0x2e: {  	s3 =	simm.s32 @!p0 $0x1082;
	s9 =	sld [smem:$0x3FB7]  }
0x2f: {  	lr =	sadd.s32 s0, s3;
	s0 =	sld [smem:$0x3FAE]  }
0x30: {  	s3 =	sld [smem:$0x3FB1]  }
0x31: {  	[smem:$0x3FBA] =	sst s10  }
0x32: {  	s10 =	sld [smem:$0x3FB8];
	_ =	sdelay $0x3  }
0x33: {  	p0 =	seq.s32 s10, $0x1;
	s10 =	sld [smem:$0x3FBA];
	_ =	sdelay $0x3  }
0x34: {  	[smem:$0x3FBA] =	sst s10  }
0x35: {  	s10 =	sld [smem:$0x3FB9];
	_ =	sdelay $0x3  }
0x36: {  	p1 =	seq.s32 s10, $0x1;
	s10 =	sld [smem:$0x3FBA];
	_ =	sdelay $0x3  }
0x37: {  	[smem:$0x3FBA] =	sst s10  }
0x38: {  	s10 =	sld [smem:$0x3FBB]  }
0x39: {  	_ = 	snop;
	(pc) =	sbr.ind lr, $3  }
0x3a: {  	_ = 	snop  }
0x3b: {  	_ = 	snop  }
0x3c: {  	p2 =	seq.s32 s10, $0x1;
	s10 =	sld [smem:$0x3FBA]  }
0x3d: {  	_ =	shalt  }
0x3e: {  	_ =	shalt  }
0x3f: {  	_ =	shalt  }
0x40: {  	_ =	shalt  }
0x41: {  	_ =	shalt  }
0x42: {  	_ =	shalt  }
0x43: {  	_ =	shalt  }
0x44: {  	_ =	shalt  }
0x45: {  	_ =	shalt  }
0x46: {  	_ =	shalt  }
0x47: {  	_ =	shalt  }
0x48: {  	_ =	shalt  }
0x49: {  	_ =	shalt  }
0x4a: {  	_ =	shalt  }
0x4b: {  	_ =	shalt  }
0x4c: {  	_ =	shalt  }
0x4d: {  	_ =	shalt  }
0x4e: {  	_ =	shalt  }
0x4f: {  	_ =	shalt  }
0x50: {  	_ =	shalt  }
0x51: {  	_ =	shalt  }
0x52: {  	_ =	shalt  }
0x53: {  	_ =	shalt  }
0x54: {  	_ =	shalt  }
0x55: {  	_ =	shalt  }
0x56: {  	_ =	shalt  }
0x57: {  	_ =	shalt  }
0x58: {  	_ =	shalt  }
0x59: {  	_ =	shalt  }
0x5a: {  	_ =	shalt  }
0x5b: {  	_ =	shalt  }
0x5c: {  	_ =	shalt  }
0x5d: {  	_ =	shalt  }
0x5e: {  	_ =	shalt  }
0x5f: {  	_ =	shalt  }
0x60: {  	_ =	shalt  }
0x61: {  	_ =	shalt  }
0x62: {  	_ =	shalt  }
0x63: {  	_ =	shalt  }
0x64: {  	_ =	shalt  }
0x65: {  	_ =	shalt  }
0x66: {  	_ =	shalt  }
0x67: {  	_ =	shalt  }
0x68: {  	_ =	shalt  }
0x69: {  	_ =	shalt  }
0x6a: {  	_ =	shalt  }
0x6b: {  	_ =	shalt  }
0x6c: {  	_ =	shalt  }
0x6d: {  	_ =	shalt  }
0x6e: {  	_ =	shalt  }
0x6f: {  	_ =	shalt  }
0x70: {  	_ =	shalt  }
0x71: {  	_ =	shalt  }
0x72: {  	_ =	shalt  }
0x73: {  	_ =	shalt  }
0x74: {  	_ =	shalt  }
0x75: {  	_ =	shalt  }
0x76: {  	_ =	shalt  }
0x77: {  	_ =	shalt  }
0x78: {  	_ =	shalt  }
0x79: {  	_ =	shalt  }
0x7a: {  	_ =	shalt  }
0x7b: {  	_ =	shalt  }
0x7c: {  	_ =	shalt  }
0x7d: {  	_ =	shalt  }
0x7e: {  	_ =	shalt  }
0x7f: {  	_ =	shalt  }
0x80: {  	_ =	shalt  }
0x81: {  	_ =	shalt  }
0x82: {  	_ =	shalt  }
0x83: {  	_ =	shalt  }
0x84: {  	_ =	shalt  }
0x85: {  	_ =	shalt  }
0x86: {  	_ =	shalt  }
0x87: {  	_ =	shalt  }
.Lfunc_end0:
.L_simem_size_0:
called_computation.1_lowered:
.L_overlay_start_0:
0x88: {  	s2 =	sld [smem:$0x3FD9]  }
0x89: {  	s3 =	sld [smem:$0x3FFE];
	_ =	sdelay $0x1  }
0x8a: {  	s1 =	srdreg.scid  }
0x8b: {  	s0 =	sand.u32 $0x1, s1  }
0x8c: {  	s17 =	sshll.u32 s0, $0xA;
	s2 =	sadd.s32 s3, s2  }
0x8d: {  	s2 =	sadd.s32 s2, s17  }
0x8e: {  	[smem:$0x3FC6] =	sst s2  }
0x8f: {  	_ = 	snop  }
0x90: {  	s2 =	sld [smem:$0x3FD0];
	(tm) =	ssettm $0x1  }
0x91: {  	s18 =	sld [smem:$0x3FFB];
	_ =	sdelay $0x3  }
0x92: {  	_ =	strace s18  }
0x93: {  	s3 =	sld [smem:$0x3FFC];
	_ =	sdelay $0x3  }
0x94: {  	_ =	strace s3  }
0x95: {  	s3 =	sld [smem:$0x3FFD];
	_ =	sdelay $0x3  }
0x96: {  	_ =	strace s3  }
0x97: {  	_ =	strace $0x8FFFFFFF  }
0x98: {  	s19 =	sld [smem:$0x3FDB];
	_ =	sdelay $0x1  }
0x99: {  	s4 =	simm.s32 $_scs_section_size  }
0x9a: {  	s5 =	simm.s32 $_size__tile_overlayer_lowered;
	s6 =	simm.s32 $_tile_overlayer_lowered  }
0x9b: {  	s22 =	simm.s32 $0x1BFF;
	s21 =	sshll.u32 s6, $0x1;
	s3 =	sadd.s32 s4, s19  }
0x9c: {  	s7 =	simm.s32 $0x0;
	s20 =	sshll.u32 s5, $0x1;
	s5 =	sadd.s32 s21, s3  }
0x9d: {  	[timem:s7], [sflag:s22] =	dma.local [hbm:s5], s20  }
0x9e: {  	_ =	swait.ge [sflag:s22], s20  }
0x9f: {  	s4 =	ssub.s32 $0x0, s20;
	[sflag:s22] =	ssyncset.done $0x0  }
0xa0: {  	[sflag:s22] =	ssyncadd.s32 s4;
	_ =	sdelay $0x1  }
0xa1: {  	s23 =	simm.s32 $0x1B8B  }
0xa2: {  	_ =	swait.ge [sflag:s23], $0x1  }
0xa3: {  	[sflag:s23] =	ssyncset.done $0x0  }
0xa4: {  	s25 =	simm.s32 $0x1B8E;
	s24 =	sld [smem:$0x3FFE];
	[sflag:s23] =	ssyncadd.s32 $0xFFFFFFFF  }
0xa5: {  	s26 =	simm.s32 $execute0_lowered;
	[smem:$0x3FD2] =	sst s25  }
0xa6: {  	s5 =	sshll.u32 s26, $0x1;
	_ =	strace $0x80000046;
	[dreg:$0x1] =	wrdreg $0xFFFFFFFF  }
0xa7: {  	s28 =	simm.s32 $_size_execute0_lowered;
	s3 =	sadd.s32 s3, s5;
	[dreg:$0x0] =	wrdreg $0x0  }
0xa8: {  	s5 =	sshll.u32 s28, $0x1;
	[dreg:$0x2] =	wrdreg s3  }
0xa9: {  	[dreg:$0x3] =	wrdreg s5  }
0xaa: {  	[dreg:$0x4] =	wrdreg $0xC0  }
0xab: {  	_ =	task [dreg:s7], $0x5FFFF  }
0xac: {  	[dreg:$0x1] =	wrdreg $0xFFFFFFFF  }
0xad: {  	[dreg:$0x0] =	wrdreg $0x60  }
0xae: {  	[dreg:$0x2] =	wrdreg s24  }
0xaf: {  	[dreg:$0x3] =	wrdreg s2  }
0xb0: {  	[dreg:$0x4] =	wrdreg $0x9  }
0xb1: {  	_ =	task.clear_ibuf [dreg:s7], $0x5FFFF;
	_ =	strace $0x90000046  }
0xb2: {  	s29 =	simm.s32 $0x9;
	_ =	strace $0x80000048  }
0xb3: {  	_ =	swait.ge [sflag:s29], $0x1  }
0xb4: {  	[sflag:s29] =	ssyncadd.s32 $0xFFFFFFFF  }
0xb5: {  	_ =	strace $0x90000048  }
0xb6: {  	_ =	sfence  }
0xb7: {  	s30 =	sld [smem:$0x0];
	_ =	sdelay $0x2  }
0xb8: {  	s31 =	sshll.u32 s1, $0xD;
	s1 =	sshrl.u32 s1, $0x2  }
0xb9: {  	s3 =	sand.u32 $0x4000, s31;
	s1 =	sadd.s32 s1, s30  }
0xba: {  	s0 =	sor.u32 s3, s0;
	s1 =	sshll.u32 s1, $0x11  }
0xbb: {  	s0 =	sor.u32 s1, s0  }
0xbc: {  	s0 =	sadd.s32 $0x8F2B, s0  }
0xbd: {  	[sflag:s0] =	ssyncadd.remote.s32 $0x1  }
0xbe: {  	_ =	sfence.sel $0xFFFF  }
0xbf: {  	[dreg:$0x0] =	wrdreg $0xFFFFFFFF;
	(pc) =	sbr.abs _section_cstart, $3  }
0xc0: {  	[dreg:$0x1] =	wrdreg $0xFFFFFFFF  }
0xc1: {  	_ =	task.clear_ibuf [dreg:s7], $0x2FFFF;
	_ =	strace $0x9FFFFFFF  }
0xc2: {  	(tm) =	ssettm $0x7FFFFFFF  }
0xc3: {  	_ =	shalt  }
tec
execute0_lowered:
.L_overlay_start_1:
0x0: {  	(tag) =	ssettag $0x1  }
0x1: {  	s0 =	srdreg.scid  }
0x2: {  	s8 =	stileid.u32;
	s1 =	rddreg [dreg:$0x0]  }
0x3: {  	s4 =	rddreg [dreg:$0x1];
	s10 =	simm.s32 $0x32;
	s11 =	simm.s32 $0x7000  }
0x4: {  	s13 =	simm.s32 $0x7C80;
	s15 =	simm.s32 $0x8900;
	s17 =	simm.s32 $0x9580  }
0x5: {  	s19 =	simm.s32 $0xA200;
	s21 =	simm.s32 $0xAE80;
	s23 =	simm.s32 $0xBB00  }
0x6: {  	s25 =	simm.s32 $0xC780;
	s29 =	simm.s32 $0xD400;
	s31 =	simm.s32 $0xE080  }
0x7: {  	s14 =	simm.s32 $0xF980;
	s18 =	simm.s32 $0x10600;
	s22 =	simm.s32 $0x11280  }
0x8: {  	s28 =	simm.s32 $0x11F00;
	s12 =	simm.s32 $0x2;
	s16 =	simm.s32 $0x3  }
0x9: {  	s0 =	sand.u32 $0x1, s0;
	s2 =	sshll.u32 s8, $0x1;
	s8 =	smul.u32 $0x64000, s8  }
0xa: {  	s3 =	sor.u32 s0, s2;
	s7 =	ssub.s32 $0x2, s0;
	s0 =	smul.u32 $0x32000, s0  }
0xb: {  	s20 =	simm.s32 $0x0;
	s2 =	simm.s32 $0x0;
	s5 =	smul.u32 $0xE00, s3  }
0xc: {  	[smem:$0x7FF] =	sst s2;
	s6 =	smul.u32 $0x32000, s3;
	s9 =	sshrl.u32 s7, $0x1  }
0xd: {  	s3 =	sadd.s32 $0xF42E00, s1;
	s30 =	sadd.s32 s8, s4;
	_ =	strace $0x80000047  }
.Ltmp0:
0xe: {  	s26 =	ssub.s32 s7, s9;
	s0 =	sadd.s32 s0, s30;
	(pc) =	sbr.rel .LBB2_1-.Ltmp0, $4  }
0xf: {  	s9 =	simm.s32 $0x4;
	s5 =	sadd.s32 s5, s1;
	s1 =	smax.u32 s26, $0x1  }
0x10: {  	s24 =	sadd.s32 $0x1900, s0;
	s26 =	simm.s32 $0x1;
	s5 =	sadd.s32 $0xA00, s5  }
0x11: {  	s0 =	simm.s32 $0xED00;
	[dreg:$0x3] =	wrdreg s5;
	s5 =	sadd.s32 s4, s6  }
0x12: {  	[dreg:$0x4] =	wrdreg s1;
	s1 =	simm.s32 $0x12B80;
	s7 =	sadd.s32 $0xC80, s5  }
.LBB2_4:
0x13: {  	_ =	swait.ge [sflag:s16], $0x6400  }
0x14: {  	s20 =	sadd.s32 $0x1, s20;
	s4 =	rddreg [dreg:$0x4]  }
0x15: {  	p0 =	sne.s32 s20, s4  }
.Ltmp1:
0x16: {  	_ = 	snop;
	(pc) =	sbr.rel @!p0 .LBB2_5-.Ltmp1, $3  }
0x17: {  	_ =	sdelay $0x1  }
0x18: {  	[sflag:s16] =	ssyncset.done $0x0  }
0x19: {  	[sflag:s16] =	ssyncadd.s32 $0xFFFF9C00  }
.LBB2_1:
0x1a: {  	s4 =	rddreg [dreg:$0x3]  }
0x1b: {  	[tilespmem:s2], [sflag:$0x4] =	stream.linear.gather [hbm4b:s4+s2], $0x7000, $0x38;
	[tilespmem:$0x13800] =	vst v63  }
0x1c: {  	_ =	swait.ge [sflag:s9], $0x7000  }
0x1d: {  	[sflag:s9] =	ssyncset.done $0x0  }
0x1e: {  	[sflag:s9] =	ssyncadd.s32 $0xFFFF9000  }
0x1f: {  	[tilespmem:s11], [sflag:$0x1] =	stream.indirect.gather [hbm4b:s3+s10], $0x40, s2, s10, $0xb8;
	[tilespmem:$0x13800] =	vst v63  }
0x20: {  	s8 =	simm.s32 $0x38  }
0x21: {  	[tilespmem:s13], [sflag:$0x1] =	stream.indirect.gather [hbm4b:s3+s10], $0x40, s8, s10, $0xb8;
	[tilespmem:$0x13800] =	vst v63  }
0x22: {  	s6 =	simm.s32 $0x70  }
0x23: {  	[tilespmem:s15], [sflag:$0x1] =	stream.indirect.gather [hbm4b:s3+s10], $0x40, s6, s10, $0xb8;
	[tilespmem:$0x13800] =	vst v63  }
0x24: {  	s8 =	simm.s32 $0xA8  }
0x25: {  	[tilespmem:s17], [sflag:$0x1] =	stream.indirect.gather [hbm4b:s3+s10], $0x40, s8, s10, $0xb8;
	[tilespmem:$0x13800] =	vst v63  }
0x26: {  	s6 =	simm.s32 $0xE0  }
0x27: {  	[tilespmem:s19], [sflag:$0x1] =	stream.indirect.gather [hbm4b:s3+s10], $0x40, s6, s10, $0xb8;
	[tilespmem:$0x13800] =	vst v63  }
0x28: {  	s8 =	simm.s32 $0x118  }
0x29: {  	[tilespmem:s21], [sflag:$0x1] =	stream.indirect.gather [hbm4b:s3+s10], $0x40, s8, s10, $0xb8;
	[tilespmem:$0x13800] =	vst v63  }
0x2a: {  	s6 =	simm.s32 $0x150  }
0x2b: {  	[tilespmem:s23], [sflag:$0x1] =	stream.indirect.gather [hbm4b:s3+s10], $0x40, s6, s10, $0xb8;
	[tilespmem:$0x13800] =	vst v63  }
0x2c: {  	s8 =	simm.s32 $0x188  }
0x2d: {  	[tilespmem:s25], [sflag:$0x1] =	stream.indirect.gather [hbm4b:s3+s10], $0x40, s8, s10, $0xb8;
	[tilespmem:$0x13800] =	vst v63  }
0x2e: {  	_ =	swait.ge [sflag:s26], $0x6400  }
0x2f: {  	[sflag:s26] =	ssyncset.done $0x0  }
0x30: {  	[sflag:s26] =	ssyncadd.s32 $0xFFFF9C00  }
0x31: {  	[hbm4b:s5+s2] =	stream.linear.scatter [tilespmem:s11], [sflag:$0x2], $0x6400, $0x38;
	[tilespmem:$0x13800] =	vst v63  }
0x32: {  	s6 =	simm.s32 $0x1C0  }
0x33: {  	[tilespmem:s29], [sflag:$0x1] =	stream.indirect.gather [hbm4b:s3+s10], $0x40, s6, s10, $0xb8;
	[tilespmem:$0x13800] =	vst v63  }
0x34: {  	s8 =	simm.s32 $0x1F8  }
0x35: {  	[tilespmem:s31], [sflag:$0x1] =	stream.indirect.gather [hbm4b:s3+s10], $0x40, s8, s10, $0xb8;
	[tilespmem:$0x13800] =	vst v63  }
0x36: {  	s6 =	simm.s32 $0x230  }
0x37: {  	[tilespmem:s0], [sflag:$0x1] =	stream.indirect.gather [hbm4b:s3+s10], $0x40, s6, s10, $0xb8;
	[tilespmem:$0x13800] =	vst v63  }
0x38: {  	s8 =	simm.s32 $0x268  }
0x39: {  	[tilespmem:s14], [sflag:$0x1] =	stream.indirect.gather [hbm4b:s3+s10], $0x40, s8, s10, $0xb8;
	[tilespmem:$0x13800] =	vst v63  }
0x3a: {  	s6 =	simm.s32 $0x2A0  }
0x3b: {  	[tilespmem:s18], [sflag:$0x1] =	stream.indirect.gather [hbm4b:s3+s10], $0x40, s6, s10, $0xb8;
	[tilespmem:$0x13800] =	vst v63  }
0x3c: {  	s8 =	simm.s32 $0x2D8  }
0x3d: {  	[tilespmem:s22], [sflag:$0x1] =	stream.indirect.gather [hbm4b:s3+s10], $0x40, s8, s10, $0xb8;
	[tilespmem:$0x13800] =	vst v63  }
0x3e: {  	s6 =	simm.s32 $0x310  }
0x3f: {  	[tilespmem:s28], [sflag:$0x1] =	stream.indirect.gather [hbm4b:s3+s10], $0x40, s6, s10, $0xb8;
	[tilespmem:$0x13800] =	vst v63  }
0x40: {  	s8 =	simm.s32 $0x348  }
0x41: {  	[tilespmem:s1], [sflag:$0x1] =	stream.indirect.gather [hbm4b:s3+s10], $0x40, s8, s10, $0xb8;
	[tilespmem:$0x13800] =	vst v63  }
0x42: {  	_ =	swait.ge [sflag:s26], $0x6400  }
0x43: {  	[sflag:s26] =	ssyncset.done $0x0  }
0x44: {  	[sflag:s26] =	ssyncadd.s32 $0xFFFF9C00  }
0x45: {  	[hbm4b:s7+s2] =	stream.linear.scatter [tilespmem:s29], [sflag:$0x3], $0x6400, $0x38;
	[tilespmem:$0x13800] =	vst v63  }
0x46: {  	_ =	swait.ge [sflag:s12], $0x6400  }
0x47: {  	[sflag:s12] =	ssyncset.done $0x0  }
0x48: {  	s6 =	simm.s32 $0x380;
	[sflag:s12] =	ssyncadd.s32 $0xFFFF9C00  }
0x49: {  	[tilespmem:s11], [sflag:$0x1] =	stream.indirect.gather [hbm4b:s3+s10], $0x40, s6, s10, $0xb8;
	[tilespmem:$0x13800] =	vst v63  }
0x4a: {  	s8 =	simm.s32 $0x3B8  }
0x4b: {  	[tilespmem:s13], [sflag:$0x1] =	stream.indirect.gather [hbm4b:s3+s10], $0x40, s8, s10, $0xb8;
	[tilespmem:$0x13800] =	vst v63  }
0x4c: {  	s6 =	simm.s32 $0x3F0  }
0x4d: {  	[tilespmem:s15], [sflag:$0x1] =	stream.indirect.gather [hbm4b:s3+s10], $0x40, s6, s10, $0xb8;
	[tilespmem:$0x13800] =	vst v63  }
0x4e: {  	s8 =	simm.s32 $0x428  }
0x4f: {  	[tilespmem:s17], [sflag:$0x1] =	stream.indirect.gather [hbm4b:s3+s10], $0x40, s8, s10, $0xb8;
	[tilespmem:$0x13800] =	vst v63  }
0x50: {  	s6 =	simm.s32 $0x460  }
0x51: {  	[tilespmem:s19], [sflag:$0x1] =	stream.indirect.gather [hbm4b:s3+s10], $0x40, s6, s10, $0xb8;
	[tilespmem:$0x13800] =	vst v63  }
0x52: {  	s8 =	simm.s32 $0x498  }
0x53: {  	[tilespmem:s21], [sflag:$0x1] =	stream.indirect.gather [hbm4b:s3+s10], $0x40, s8, s10, $0xb8;
	[tilespmem:$0x13800] =	vst v63  }
0x54: {  	s6 =	simm.s32 $0x4D0  }
0x55: {  	[tilespmem:s23], [sflag:$0x1] =	stream.indirect.gather [hbm4b:s3+s10], $0x40, s6, s10, $0xb8;
	[tilespmem:$0x13800] =	vst v63  }
0x56: {  	s8 =	simm.s32 $0x508  }
0x57: {  	[tilespmem:s25], [sflag:$0x1] =	stream.indirect.gather [hbm4b:s3+s10], $0x40, s8, s10, $0xb8;
	[tilespmem:$0x13800] =	vst v63  }
0x58: {  	s30 =	simm.s32 $0x0;
	s8 =	smov.u32 s24  }
.LBB2_2:
0x59: {  	_ =	swait.ge [sflag:s26], $0x6400  }
0x5a: {  	[sflag:s26] =	ssyncset.done $0x0  }
0x5b: {  	[sflag:s26] =	ssyncadd.s32 $0xFFFF9C00  }
0x5c: {  	[hbm4b:s8+s2] =	stream.linear.scatter [tilespmem:s11], [sflag:$0x2], $0x6400, $0x38;
	[tilespmem:$0x13800] =	vst v63  }
0x5d: {  	_ =	swait.ge [sflag:s16], $0x6400  }
0x5e: {  	s4 =	sshra.s32 s30, $0x2;
	[sflag:s16] =	ssyncset.done $0x0  }
0x5f: {  	s6 =	sadd.s32 $0x540, s4;
	[sflag:s16] =	ssyncadd.s32 $0xFFFF9C00  }
0x60: {  	[tilespmem:s29], [sflag:$0x1] =	stream.indirect.gather [hbm4b:s3+s10], $0x40, s6, s10, $0xb8;
	[tilespmem:$0x13800] =	vst v63  }
0x61: {  	s6 =	sadd.s32 $0x578, s4  }
0x62: {  	[tilespmem:s31], [sflag:$0x1] =	stream.indirect.gather [hbm4b:s3+s10], $0x40, s6, s10, $0xb8;
	[tilespmem:$0x13800] =	vst v63  }
0x63: {  	s6 =	sadd.s32 $0x5B0, s4  }
0x64: {  	[tilespmem:s0], [sflag:$0x1] =	stream.indirect.gather [hbm4b:s3+s10], $0x40, s6, s10, $0xb8;
	[tilespmem:$0x13800] =	vst v63  }
0x65: {  	s6 =	sadd.s32 $0x5E8, s4  }
0x66: {  	[tilespmem:s14], [sflag:$0x1] =	stream.indirect.gather [hbm4b:s3+s10], $0x40, s6, s10, $0xb8;
	[tilespmem:$0x13800] =	vst v63  }
0x67: {  	s6 =	sadd.s32 $0x620, s4  }
0x68: {  	[tilespmem:s18], [sflag:$0x1] =	stream.indirect.gather [hbm4b:s3+s10], $0x40, s6, s10, $0xb8;
	[tilespmem:$0x13800] =	vst v63  }
0x69: {  	s6 =	sadd.s32 $0x658, s4  }
0x6a: {  	[tilespmem:s22], [sflag:$0x1] =	stream.indirect.gather [hbm4b:s3+s10], $0x40, s6, s10, $0xb8;
	[tilespmem:$0x13800] =	vst v63  }
0x6b: {  	s6 =	sadd.s32 $0x690, s4  }
0x6c: {  	[tilespmem:s28], [sflag:$0x1] =	stream.indirect.gather [hbm4b:s3+s10], $0x40, s6, s10, $0xb8;
	[tilespmem:$0x13800] =	vst v63  }
0x6d: {  	s6 =	sadd.s32 $0x6C8, s4  }
0x6e: {  	[tilespmem:s1], [sflag:$0x1] =	stream.indirect.gather [hbm4b:s3+s10], $0x40, s6, s10, $0xb8;
	[tilespmem:$0x13800] =	vst v63  }
0x6f: {  	_ =	swait.ge [sflag:s26], $0x6400  }
0x70: {  	p0 =	seq.s32 s30, $0x1A400;
	[sflag:s26] =	ssyncset.done $0x0  }
.Ltmp2:
0x71: {  	s6 =	sadd.s32 $0xC80, s8;
	[sflag:s26] =	ssyncadd.s32 $0xFFFF9C00;
	(pc) =	sbr.rel @p0 .LBB2_4-.Ltmp2, $4  }
0x72: {  	[hbm4b:s6+s2] =	stream.linear.scatter [tilespmem:s29], [sflag:$0x3], $0x6400, $0x38;
	[tilespmem:$0x13800] =	vst v63  }
0x73: {  	_ =	swait.ge [sflag:s12], $0x6400  }
0x74: {  	[sflag:s12] =	ssyncset.done $0x0  }
0x75: {  	[sflag:s12] =	ssyncadd.s32 $0xFFFF9C00  }
0x76: {  	s6 =	sadd.s32 $0x700, s4  }
0x77: {  	[tilespmem:s11], [sflag:$0x1] =	stream.indirect.gather [hbm4b:s3+s10], $0x40, s6, s10, $0xb8;
	[tilespmem:$0x13800] =	vst v63  }
0x78: {  	s6 =	sadd.s32 $0x738, s4  }
0x79: {  	[tilespmem:s13], [sflag:$0x1] =	stream.indirect.gather [hbm4b:s3+s10], $0x40, s6, s10, $0xb8;
	[tilespmem:$0x13800] =	vst v63  }
0x7a: {  	s6 =	sadd.s32 $0x770, s4  }
0x7b: {  	[tilespmem:s15], [sflag:$0x1] =	stream.indirect.gather [hbm4b:s3+s10], $0x40, s6, s10, $0xb8;
	[tilespmem:$0x13800] =	vst v63  }
0x7c: {  	s6 =	sadd.s32 $0x7A8, s4  }
0x7d: {  	[tilespmem:s17], [sflag:$0x1] =	stream.indirect.gather [hbm4b:s3+s10], $0x40, s6, s10, $0xb8;
	[tilespmem:$0x13800] =	vst v63  }
0x7e: {  	s6 =	sadd.s32 $0x7E0, s4  }
0x7f: {  	[tilespmem:s19], [sflag:$0x1] =	stream.indirect.gather [hbm4b:s3+s10], $0x40, s6, s10, $0xb8;
	[tilespmem:$0x13800] =	vst v63  }
0x80: {  	s6 =	sadd.s32 $0x818, s4  }
0x81: {  	[tilespmem:s21], [sflag:$0x1] =	stream.indirect.gather [hbm4b:s3+s10], $0x40, s6, s10, $0xb8;
	[tilespmem:$0x13800] =	vst v63  }
.Ltmp3:
0x82: {  	_ = 	snop;
	(pc) =	sbr.rel .LBB2_2-.Ltmp3, $4  }
0x83: {  	s6 =	sadd.s32 $0x850, s4  }
0x84: {  	[tilespmem:s23], [sflag:$0x1] =	stream.indirect.gather [hbm4b:s3+s10], $0x40, s6, s10, $0xb8;
	[tilespmem:$0x13800] =	vst v63  }
0x85: {  	s30 =	sadd.s32 $0xE00, s30;
	s8 =	sadd.s32 $0x1900, s8;
	s6 =	sadd.s32 $0x888, s4  }
0x86: {  	[tilespmem:s25], [sflag:$0x1] =	stream.indirect.gather [hbm4b:s3+s10], $0x40, s6, s10, $0xb8;
	[tilespmem:$0x13800] =	vst v63  }
.LBB2_5:
0x87: {  	_ =	sfence.sel $0x180000  }
0x88: {  	[bflag:$0x0] =	sbarrier.arrive $0xFFFF  }
0x89: {  	_ =	strace $0x90000047  }
0x8a: {  	s0 =	stileid.u32;
	[bflag:$0x2] =	sbarrier.arrive $0xFFFF  }
0x8b: {  	p0 =	sne.s32 s0, $0x0;
	s0 =	rddreg [dreg:$0x2]  }
0x8c: {  	s0 =	sadd.s32 @!p0 $0x100000, s0  }
0x8d: {  	[sflag:s0] =	ssyncadd.tile.s32 @!p0 $0x1;
	_ =	shalt  }
.Lfunc_end2:
_tile_overlayer_lowered:
.L_overlay_start_2:
0x8e: {  	(tag) =	ssettag $0x2  }
0x8f: {  	s0 =	rddreg [dreg:$0x0];
	s2 =	stileid.u32  }
0x90: {  	s1 =	rddreg [dreg:$0x1];
	p0 =	sne.s32 s2, $0x0  }
0x91: {  	s3 =	rddreg [dreg:$0x2];
	[bflag:$0x3] =	sbarrier.arrive $0xFFFF;
	s2 =	simm.s32 @!p0 $0x1C04  }
0x92: {  	[timem:s3], [sflag:s2] =	dma.local @!p0 [hbm:s0], s1  }
0x93: {  	s0 =	simm.s32 @!p0 $0x4  }
0x94: {  	_ =	swait.ge @!p0 [sflag:s0], s1  }
0x95: {  	s1 =	ssub.s32 @!p0 $0x0, s1;
	[sflag:s0] =	ssyncset.done @!p0 $0x0  }
0x96: {  	[sflag:s0] =	ssyncadd.s32 @!p0 s1  }
0x97: {  	[bflag:$0x3] =	sbarrier.arrive $0xFFFF  }
0x98: {  	_ =	shalt  }

// kernel: sparse-core-data-format-call.cloned.1.call-start
scs
called_computation_lowered:
.L_overlay_start_0:
0x0: {  	s2 =	sld [smem:$0x3FD9]  }
0x1: {  	s3 =	sld [smem:$0x3FFE];
	_ =	sdelay $0x1  }
0x2: {  	s1 =	srdreg.scid  }
0x3: {  	s0 =	sand.u32 $0x1, s1  }
0x4: {  	s18 =	sshll.u32 s0, $0xA;
	s2 =	sadd.s32 s3, s2  }
0x5: {  	s2 =	sadd.s32 s2, s18  }
0x6: {  	[smem:$0x3FC6] =	sst s2  }
0x7: {  	_ = 	snop  }
0x8: {  	s2 =	sld [smem:$0x3FD0];
	(tm) =	ssettm $0x1  }
0x9: {  	s19 =	sld [smem:$0x3FFB];
	_ =	sdelay $0x3  }
0xa: {  	_ =	strace s19  }
0xb: {  	s3 =	sld [smem:$0x3FFC];
	_ =	sdelay $0x3  }
0xc: {  	_ =	strace s3  }
0xd: {  	s3 =	sld [smem:$0x3FFD];
	_ =	sdelay $0x3  }
0xe: {  	_ =	strace s3  }
0xf: {  	_ =	strace $0x8FFFFFFF  }
0x10: {  	s20 =	sld [smem:$0x3FDB];
	_ =	sdelay $0x1  }
0x11: {  	s4 =	simm.s32 $_scs_section_size  }
0x12: {  	s5 =	simm.s32 $_size__tile_overlayer_lowered;
	s6 =	simm.s32 $_tile_overlayer_lowered  }
0x13: {  	s23 =	simm.s32 $0x1BFF;
	s22 =	sshll.u32 s6, $0x1;
	s3 =	sadd.s32 s4, s20  }
0x14: {  	s7 =	simm.s32 $0x0;
	s21 =	sshll.u32 s5, $0x1;
	s5 =	sadd.s32 s22, s3  }
0x15: {  	[timem:s7], [sflag:s23] =	dma.local [hbm:s5], s21  }
0x16: {  	_ =	swait.ge [sflag:s23], s21  }
0x17: {  	s4 =	ssub.s32 $0x0, s21;
	[sflag:s23] =	ssyncset.done $0x0  }
0x18: {  	[sflag:s23] =	ssyncadd.s32 s4;
	_ =	sdelay $0x1  }
0x19: {  	s24 =	simm.s32 $0x1B8B  }
0x1a: {  	_ =	swait.ge [sflag:s24], $0x1  }
0x1b: {  	[sflag:s24] =	ssyncset.done $0x0  }
0x1c: {  	s26 =	simm.s32 $0x1B8E;
	s25 =	sld [smem:$0x3FFE];
	[sflag:s24] =	ssyncadd.s32 $0xFFFFFFFF  }
0x1d: {  	s27 =	simm.s32 $execute0_lowered;
	[smem:$0x3FD2] =	sst s26  }
0x1e: {  	s5 =	sshll.u32 s27, $0x1;
	_ =	strace $0x80000049;
	[dreg:$0x1] =	wrdreg $0xFFFFFFFF  }
0x1f: {  	s28 =	simm.s32 $_size_execute0_lowered;
	s3 =	sadd.s32 s3, s5;
	[dreg:$0x0] =	wrdreg $0x0  }
0x20: {  	s5 =	sshll.u32 s28, $0x1;
	[dreg:$0x2] =	wrdreg s3  }
0x21: {  	[dreg:$0x3] =	wrdreg s5  }
0x22: {  	[dreg:$0x4] =	wrdreg $0xC0  }
0x23: {  	_ =	task [dreg:s7], $0x5FFFF  }
0x24: {  	[dreg:$0x1] =	wrdreg $0xFFFFFFFF  }
0x25: {  	[dreg:$0x0] =	wrdreg $0x60  }
0x26: {  	[dreg:$0x2] =	wrdreg s25  }
0x27: {  	[dreg:$0x3] =	wrdreg s2  }
0x28: {  	[dreg:$0x4] =	wrdreg $0x9  }
0x29: {  	_ =	task.clear_ibuf [dreg:s7], $0x5FFFF;
	_ =	strace $0x90000049  }
0x2a: {  	s29 =	simm.s32 $0x9;
	_ =	strace $0x8000004B  }
0x2b: {  	_ =	swait.ge [sflag:s29], $0x1  }
0x2c: {  	[sflag:s29] =	ssyncadd.s32 $0xFFFFFFFF  }
0x2d: {  	_ =	strace $0x9000004B  }
0x2e: {  	_ =	sfence  }
0x2f: {  	s30 =	sld [smem:$0x0];
	_ =	sdelay $0x2  }
0x30: {  	s31 =	sshll.u32 s1, $0xD;
	s1 =	sshrl.u32 s1, $0x2  }
0x31: {  	s3 =	sand.u32 $0x4000, s31;
	s1 =	sadd.s32 s1, s30  }
0x32: {  	s0 =	sor.u32 s3, s0;
	s1 =	sshll.u32 s1, $0x11  }
0x33: {  	s0 =	sor.u32 s1, s0  }
0x34: {  	s0 =	sadd.s32 $0x8F2B, s0  }
0x35: {  	[sflag:s0] =	ssyncadd.remote.s32 $0x1  }
0x36: {  	_ =	sfence.sel $0xFFFF  }
0x37: {  	[dreg:$0x0] =	wrdreg $0xFFFFFFFF;
	(pc) =	sbr.abs _section_cstart, $3  }
0x38: {  	[dreg:$0x1] =	wrdreg $0xFFFFFFFF  }
0x39: {  	_ =	task.clear_ibuf [dreg:s7], $0x2FFFF;
	_ =	strace $0x9FFFFFFF  }
0x3a: {  	(tm) =	ssettm $0x7FFFFFFF  }
0x3b: {  	_ =	shalt  }
tec
execute0_lowered:
.L_overlay_start_1:
0x0: {  	(tag) =	ssettag $0x1  }
0x1: {  	s0 =	srdreg.scid  }
0x2: {  	s1 =	sshll.u32 s0, $0x4  }
0x3: {  	s0 =	stileid.u32;
	s1 =	sand.u32 $0x10, s1  }
0x4: {  	s1 =	sor.u32 s0, s1  }
0x5: {  	s6 =	rddreg [dreg:$0x0];
	s4 =	simm.s32 $0x1;
	s2 =	sshll.u32 s1, $0x7  }
0x6: {  	s7 =	simm.s32 $0x2;
	s12 =	simm.s32 $0x0;
	s1 =	ssub.s32 $0x4000, s2  }
0x7: {  	s8 =	simm.s32 $0x20000;
	s13 =	simm.s32 $0x0;
	s3 =	sand.u32 $0xF80, s1  }
0x8: {  	s9 =	simm.s32 $0x0;
	s5 =	sshrl.u32 s1, $0xC;
	p0 =	sne.s32 s3, $0x0  }
.Ltmp0:
0x9: {  	s1 =	rddreg [dreg:$0x2];
	s4 =	simm.s32 @!p0 $0x0;
	(pc) =	sbr.rel .LBB1_1-.Ltmp0, $4  }
0xa: {  	s11 =	simm.s32 $0x0;
	s3 =	rddreg [dreg:$0x1];
	s5 =	sadd.s32 s4, s5  }
0xb: {  	_ =	strace $0x8000004A;
	s4 =	simm.s32 $0x1;
	s5 =	smul.u32 $0x32, s5  }
0xc: {  	s6 =	sadd.s32 $0xA00, s6;
	s10 =	smov.u32 s2;
	[sflag:s4] =	ssyncpa.u1 $0x0  }
0xd: {  	p0 =	por $0x0, $0x0;
	[sflag:s7] =	ssyncpa.u1 $0x0;
	s7 =	sor.u32 $0x1, s5  }
.LBB1_4:
0xe: {  	s16 =	sshll.u32 s13, $0x3;
	s17 =	sand.u32 $0x78, s13  }
0xf: {  	s30 =	sand.u32 $0x1F800, s13;
	s12 =	sshll.u32 s12, $0x11;
	s16 =	sand.u32 $0x3C00, s16  }
0x10: {  	[tilespmem:s15+$0x810 ss:$0x81] =	vst.msk $0xffff, v2;
	s31 =	sand.u32 $0x7, s13;
	s16 =	sor.u32 s17, s16;
	s17 =	sadd.s32 s3, s30  }
0x11: {  	[tilespmem:s15+$0x1020 ss:$0x81] =	vst.msk $0xffff, v0;
	s13 =	sshll.u32 s31, $0x12;
	s12 =	sadd.s32 s12, s17;
	s16 =	sshrl.u32 s16, $0x3  }
0x12: {  	[tilespmem:s15+$0x0 ss:$0x81] =	vst.msk $0xffff, v1;
	s13 =	sor.u32 $0x400, s13;
	s12 =	sadd.s32 s16, s12  }
0x13: {  	[hbm4b:s12+s13] =	stream.strided.scatter [tilespmem:s14], [sflag:$0x2], $0x2000, s8, s13, $0x20;
	[tilespmem:$0x8080] =	vst v63  }
.LBB1_5:
0x14: {  	s14 =	sadd.s32 $0x1, s9  }
0x15: {  	s12 =	sadd.s32 $0x1000, s10;
	s16 =	smov.u32 s10;
	p2 =	sgt.s32 s14, $0x31  }
0x16: {  	s16 =	smov.u32 @p2 s12  }
0x17: {  	s14 =	simm.s32 @p2 $0x0;
	p2 =	sgt.s32 s16, $0x3FFF  }
0x18: {  	s16 =	smov.u32 @p2 s2;
	p2 =	sne.s32 s11, s7  }
.Ltmp1:
0x19: {  	p1 =	slt.u32 s11, $0x2;
	(pc) =	sbr.rel @!p2 .LBB1_6-.Ltmp1, $4  }
0x1a: {  	s15 =	simm.s32 @!p1 $0x2  }
0x1b: {  	s13 =	smov.u32 s10;
	p0 =	por !p0, !p0;
	_ =	swait.ge @!p1 [sflag:s15], $0x2000  }
0x1c: {  	s12 =	smov.u32 s9;
	[sflag:s15] =	ssyncset.done @!p1 $0x0;
	s9 =	smov.u32 s14  }
0x1d: {  	s11 =	sadd.s32 $0x1, s11;
	[sflag:s15] =	ssyncadd.s32 @!p1 $0xFFFFE000;
	s10 =	smov.u32 s16  }
.LBB1_1:
0x1e: {  	p1 =	sge.u32 s11, s5  }
0x1f: {  	s14 =	sand.u32 @!p1 $0x1FFFFFF, s9  }
0x20: {  	s15 =	smulhi.u32 @!p1 $0x4924925, s14;
	_ =	sdelay $0x1  }
0x21: {  	s15 =	smul.u32 @!p1 $0x38, s15  }
0x22: {  	s16 =	sxor.u32 @!p1 $0xFFFFFFFF, s11;
	s17 =	smul.u32 @!p1 $0x380, s10  }
0x23: {  	s31 =	sadd.s32 $0xFFFFFFFF, s11;
	s16 =	sshll.u32 @!p1 s16, $0xD;
	s14 =	ssub.s32 @!p1 s14, s15  }
0x24: {  	s15 =	sand.u32 @!p1 $0x2000, s16;
	s16 =	sadd.s32 @!p1 s6, s17;
	s14 =	sshll.u32 @!p1 s14, $0x4  }
0x25: {  	s17 =	simm.s32 @!p1 $0x1C00;
	s14 =	sadd.s32 @!p1 s14, s16;
	s16 =	simm.s32 @!p1 $0x40  }
0x26: {  	[tilespmem:s15], [sflag:$0x1] =	stream.strided.gather @!p1 [hbm4b:s14+s16], $0x2000, s17, s16, $0x38;
	[tilespmem:$0x8080] =	vst v63  }
0x27: {  	p1 =	sge.u32 s31, s5  }
.Ltmp2:
0x28: {  	_ = 	snop;
	(pc) =	sbr.rel @p1 .LBB1_5-.Ltmp2, $1  }
0x29: {  	_ =	sdelay $0x3  }
0x2a: {  	s14 =	simm.s32 $0x1  }
0x2b: {  	_ =	swait.ge [sflag:s4], $0x2000;
	s14 =	simm.s32 @!p0 $0x0  }
0x2c: {  	[sflag:s4] =	ssyncset.done $0x0;
	s15 =	sshll.u32 s14, $0xD  }
0x2d: {  	[sflag:s4] =	ssyncadd.s32 $0xFFFFE000;
	s18 =	sor.u32 $0x20, s15  }
0x2e: {  	s14 =	smul.u32 $0x8100, s14;
	v3 =	vld [tilespmem:s18+$0x10]  }
0x2f: {  	s30 =	sand.u32 $0x1, s11;
	v2 =	vld [tilespmem:s18+$0xFFFFFFF0]  }
0x30: {  	s15 =	smul.u32 $0x8100, s30;
	s14 =	sshrl.u32 s14, $0x2;
	v0 =	vld [tilespmem:s18+$0x0]  }
0x31: {  	v1 =	vld [tilespmem:s18+$0xFFFFFFE0];
	s16 =	sor.u32 $0x4000, s14  }
0x32: {  	s31 =	sshrl.u32 s15, $0x2;
	s15 =	sadd.s32 $0x0, s16  }
0x33: {  	s17 =	simm.s32 $0x4;
	s18 =	sadd.s32 $0x40, s18;
	s14 =	sor.u32 $0x4000, s31;
	[tilespmem:s15+$0x1830 ss:$0x81] =	vst.msk $0xffff, v3  }
.LBB1_3:
0x34: {  	v3 =	vld [tilespmem:s18+$0x10];
	p1 =	sne.s32 s17, $0x1FC;
	[tilespmem:s15+$0x810 ss:$0x81] =	vst.msk $0xffff, v2;
	s19 =	smov.u32 s17;
	s17 =	sadd.s32 $0x4, s17  }
.Ltmp3:
0x35: {  	v2 =	vld [tilespmem:s18+$0xFFFFFFF0];
	[tilespmem:s15+$0x1020 ss:$0x81] =	vst.msk $0xffff, v0;
	(pc) =	sbr.rel @p1 .LBB1_3-.Ltmp3, $4  }
0x36: {  	v0 =	vld [tilespmem:s18+$0x0];
	[tilespmem:s15+$0x0 ss:$0x81] =	vst.msk $0xffff, v1  }
0x37: {  	s15 =	sshra.s32 s19, $0x2;
	v1 =	vld [tilespmem:s18+$0xFFFFFFE0]  }
0x38: {  	s15 =	sadd.s32 s15, s16  }
0x39: {  	s18 =	sadd.s32 $0x40, s18;
	[tilespmem:s15+$0x1830 ss:$0x81] =	vst.msk $0xffff, v3  }
.Ltmp4:
0x3a: {  	_ = 	snop;
	(pc) =	sbr.rel .LBB1_4-.Ltmp4, $1  }
0x3b: {  	_ =	sdelay $0x3  }
.LBB1_6:
0x3c: {  	_ =	sfence.sel $0x180000  }
0x3d: {  	s2 =	simm.s32 $0x1;
	[bflag:$0x0] =	sbarrier.arrive $0xFFFF  }
0x3e: {  	s31 =	simm.s32 $0x2;
	[sflag:s2] =	ssyncpa.u1 $0x1  }
0x3f: {  	[sflag:s31] =	ssyncpa.u1 $0x1  }
0x40: {  	p0 =	sne.s32 s0, $0x0;
	_ =	strace $0x9000004A  }
0x41: {  	s0 =	sadd.s32 @!p0 $0x100000, s1;
	[bflag:$0x2] =	sbarrier.arrive $0xFFFF  }
0x42: {  	[sflag:s0] =	ssyncadd.tile.s32 @!p0 $0x1;
	_ =	shalt  }
.Lfunc_end1:
_tile_overlayer_lowered:
.L_overlay_start_2:
0x43: {  	(tag) =	ssettag $0x2  }
0x44: {  	s0 =	rddreg [dreg:$0x0];
	s2 =	stileid.u32  }
0x45: {  	s1 =	rddreg [dreg:$0x1];
	p0 =	sne.s32 s2, $0x0  }
0x46: {  	s3 =	rddreg [dreg:$0x2];
	[bflag:$0x3] =	sbarrier.arrive $0xFFFF;
	s2 =	simm.s32 @!p0 $0x1C01  }
0x47: {  	[timem:s3], [sflag:s2] =	dma.local @!p0 [hbm:s0], s1  }
0x48: {  	s0 =	simm.s32 @!p0 $0x1  }
0x49: {  	_ =	swait.ge @!p0 [sflag:s0], s1  }
0x4a: {  	s1 =	ssub.s32 @!p0 $0x0, s1;
	[sflag:s0] =	ssyncset.done @!p0 $0x0  }
0x4b: {  	[sflag:s0] =	ssyncadd.s32 @!p0 s1  }
0x4c: {  	[bflag:$0x3] =	sbarrier.arrive $0xFFFF  }
0x4d: {  	_ =	shalt  }

</sc_bundles>
